<compile_context>
chip_gen: v7x
topology: tpu7x:2x2x1
jax: 0.10.2.dev20260603
libtpu: 0.0.44.dev20260713+nightly
codegen_flags: <defaults>
</compile_context>

<pallas_src>
import functools

import jax
import jax.numpy as jnp
from jax import lax
from jax.experimental import pallas as pl
from jax.experimental.pallas import tpu as pltpu
from jax.experimental.pallas import tpu_sc as plsc

_W = 1280
_BLK = 2048
_PADC = 16
_LANES = 128


def _deg_body(pt, n_win, w, dst_hbm, z_hbm, deg0_out, deg1_out, deg_s, ones_v):
    cid = lax.axis_index("core")
    sid = lax.axis_index("subcore")
    pltpu.sync_copy(z_hbm, deg_s.at[pl.ds(sid * pt, pt)])

    @pl.loop(0, w, step=16)
    def _(i):
        ones_v[pl.ds(i, 16)] = jnp.full((16,), 1.0, jnp.float32)

    plsc.subcore_barrier()

    def body(i_vmem):
        pltpu.sync_copy(ones_v, deg_s.at[i_vmem.at[0]], add=True)

    pltpu.emit_pipeline(
        body,
        grid=(n_win,),
        in_specs=[pl.BlockSpec((1, w), lambda i: (0, i))],
        core_axis_name=("core", "subcore"),
        dimension_semantics=(pltpu.PARALLEL,),
    )(dst_hbm)
    plsc.subcore_barrier()

    @pl.when(cid == 0)
    def _():
        pltpu.sync_copy(deg_s.at[pl.ds(sid * pt, pt)],
                        deg0_out.at[pl.ds(sid * pt, pt)])

    @pl.when(cid == 1)
    def _():
        pltpu.sync_copy(deg_s.at[pl.ds(sid * pt, pt)],
                        deg1_out.at[pl.ds(sid * pt, pt)])


def _agg_body(pt, n_win, w, src_hbm, dst_hbm, y_hbm, z_hbm, s_out,
              s_spmem, rows_v):
    cid = lax.axis_index("core")
    sid = lax.axis_index("subcore")
    pltpu.sync_copy(z_hbm, s_spmem.at[pl.ds(sid * pt, pt)])
    plsc.subcore_barrier()

    def body(s_vmem, d_vmem):
        pltpu.sync_copy(y_hbm.at[s_vmem.at[0]], rows_v)
        pltpu.sync_copy(rows_v, s_spmem.at[d_vmem.at[0]], add=True)
    pltpu.emit_pipeline(
        body,
        grid=(n_win,),
        in_specs=[pl.BlockSpec((1, w), lambda i: (0, i)),
                  pl.BlockSpec((1, w), lambda i: (0, i))],
        core_axis_name=("core", "subcore"),
        dimension_semantics=(pltpu.PARALLEL,),
    )(src_hbm, dst_hbm)
    plsc.subcore_barrier()
    pltpu.sync_copy(s_spmem.at[pl.ds(sid * pt, pt)],
                    s_out.at[cid, pl.ds(sid * pt, pt), pl.ds(0, _PADC)])


def _y_body(x_ref, w_ref, d0_ref, d1_ref, y_ref):
    xw = jnp.dot(x_ref[...], w_ref[...], preferred_element_type=jnp.float32)
    blk = xw.shape[0]
    deg = (d0_ref[...] + d1_ref[...] + 1.0).reshape(blk, 1)
    dis = lax.rsqrt(deg)
    pad = jnp.zeros((blk, _LANES - xw.shape[1] - 1), jnp.float32)
    y_ref[...] = jnp.concatenate([xw * dis, dis, pad], axis=1)


def _out_body(d_hid, d_out, sp_ref, y_ref, bg_ref, wf_ref, bf_ref, comb_ref):
    s = sp_ref[0] + sp_ref[1]
    y = y_ref[...]
    blk = y.shape[0]
    t = s[:, :d_hid] + y[:, :d_hid]
    dis = y[:, d_hid:d_hid + 1]
    hidden = dis * t + bg_ref[...]
    out = jnp.maximum(
        jnp.dot(hidden, wf_ref[...], preferred_element_type=jnp.float32)
        + bf_ref[...], 0.0)
    z1 = jnp.zeros((blk, _PADC - d_hid), jnp.float32)
    z2 = jnp.zeros((blk, _LANES - _PADC - d_out), jnp.float32)
    comb_ref[...] = jnp.concatenate([hidden, z1, out, z2], axis=1)


def kernel(x, edge_index, W_gcn, b_gcn, W_fc, b_fc):
    n, d_in = x.shape
    d_hid = W_gcn.shape[1]
    d_out = W_fc.shape[1]
    e = edge_index.shape[1]
    assert e % _W == 0

    mesh = plsc.VectorSubcoreMesh(core_axis_name="core",
                                  subcore_axis_name="subcore")
    sc_params = pltpu.CompilerParams(use_tc_tiling_on_sc=False)
    nc, nsub = 2, 16
    pt = -(-n // nsub)
    pt = (pt + 127) // 128 * 128
    npad = pt * nsub
    assert npad % _BLK == 0

    src = (edge_index[0].astype(jnp.int32) * 8).reshape(1, e)
    dst = edge_index[1].astype(jnp.int32).reshape(1, e)
    z1 = jnp.zeros((pt,), jnp.float32)
    z16 = jnp.zeros((pt, _PADC), jnp.float32)

    deg0, deg1 = pl.kernel(
        functools.partial(_deg_body, pt, e // _W, _W),
        out_type=[jax.ShapeDtypeStruct((npad,), jnp.float32),
                  jax.ShapeDtypeStruct((npad,), jnp.float32)],
        mesh=mesh,
        scratch_types=[pltpu.VMEM_SHARED((npad,), jnp.float32),
                       pltpu.VMEM((_W,), jnp.float32)],
        compiler_params=sc_params,
    )(dst, z1)

    y = pl.pallas_call(
        _y_body,
        grid=(npad // _BLK,),
        in_specs=[pl.BlockSpec((_BLK, d_in), lambda i: (i, 0)),
                  pl.BlockSpec((d_in, d_hid), lambda i: (0, 0)),
                  pl.BlockSpec((_BLK,), lambda i: (i,)),
                  pl.BlockSpec((_BLK,), lambda i: (i,))],
        out_specs=pl.BlockSpec((_BLK, _LANES), lambda i: (i, 0)),
        out_shape=jax.ShapeDtypeStruct((npad, _LANES), jnp.float32),
    )(x, W_gcn, deg0, deg1)

    s_parts = pl.kernel(
        functools.partial(_agg_body, pt, e // _W, _W),
        out_type=jax.ShapeDtypeStruct((nc, npad, _LANES), jnp.float32),
        mesh=mesh,
        scratch_types=[pltpu.VMEM_SHARED((npad, _PADC), jnp.float32),
                       pltpu.VMEM((_W, _PADC), jnp.float32)],
        compiler_params=sc_params,
    )(src, dst, y.reshape(npad * 8, _PADC), z16)

    comb = pl.pallas_call(
        functools.partial(_out_body, d_hid, d_out),
        grid=(npad // _BLK,),
        in_specs=[pl.BlockSpec((nc, _BLK, _LANES), lambda i: (0, i, 0)),
                  pl.BlockSpec((_BLK, _LANES), lambda i: (i, 0)),
                  pl.BlockSpec((1, d_hid), lambda i: (0, 0)),
                  pl.BlockSpec((d_hid, d_out), lambda i: (0, 0)),
                  pl.BlockSpec((1, d_out), lambda i: (0, 0))],
        out_specs=pl.BlockSpec((_BLK, _LANES), lambda i: (i, 0)),
        out_shape=jax.ShapeDtypeStruct((npad, _LANES), jnp.float32),
    )(s_parts, y, b_gcn.reshape(1, d_hid), W_fc, b_fc.reshape(1, d_out))

    hidden = comb[:n, :d_hid]
    out = comb[:n, _PADC:_PADC + d_out]
    return (hidden, out)

# --- scband reference (transcript-rebuilt; emitter-appended) ---
"""Pipeline reference for scband-model-36704790512260 (READ-ONLY COPY).

The authoritative reference and input builder live on the scoring server;
editing this copy changes nothing except your own understanding.
"""

import jax, jax.numpy as jnp
import numpy as np

N = 100000
E = 1600000
D_IN = 34
D_HID = 10
D_OUT = 4

def setup_inputs(seed: int = 0) -> dict:
    key = jax.random.key(seed)
    k1, k2, k3, k4, k5, k6 = jax.random.split(key, 6)
    x = jax.random.normal(k1, (N, D_IN), dtype=jnp.float32)
    edge_index = jax.random.randint(k2, (2, E), 0, N, dtype=jnp.int64)
    # GCNConv weight (glorot) and bias
    W_gcn = jax.random.normal(k3, (D_IN, D_HID), dtype=jnp.float32) * (1.0 / np.sqrt(D_IN))
    b_gcn = jnp.zeros((D_HID,), dtype=jnp.float32)
    W_fc = jax.random.normal(k4, (D_HID, D_OUT), dtype=jnp.float32) * (1.0 / np.sqrt(D_HID))
    b_fc = jax.random.normal(k5, (D_OUT,), dtype=jnp.float32) * 0.01
    return {"x": x, "edge_index": edge_index, "W_gcn": W_gcn, "b_gcn": b_gcn, "W_fc": W_fc, "b_fc": b_fc}

def reference(x, edge_index, W_gcn, b_gcn, W_fc, b_fc):
    # GCNConv: add self-loops, symmetric normalization D^-1/2 (A+I) D^-1/2 X W + b
    n = x.shape[0]
    src = jnp.concatenate([edge_index[0], jnp.arange(n, dtype=edge_index.dtype)])
    dst = jnp.concatenate([edge_index[1], jnp.arange(n, dtype=edge_index.dtype)])
    xw = x @ W_gcn  # [N, D_HID]
    deg = jnp.zeros((n,), dtype=x.dtype).at[dst].add(1.0)
    deg_inv_sqrt = jnp.where(deg > 0, jax.lax.rsqrt(deg), 0.0)
    norm = deg_inv_sqrt[src] * deg_inv_sqrt[dst]  # [E+N]
    msg = xw[src] * norm[:, None]  # gather + scale
    agg = jnp.zeros((n, xw.shape[1]), dtype=x.dtype).at[dst].add(msg)  # scatter-add
    hidden = agg + b_gcn
    output = jax.nn.relu(hidden @ W_fc + b_fc)
    return (hidden, output)

if __name__ == "__main__":
    import jax
    _d = setup_inputs()
    print(jax.jit(kernel)(*tuple(_d.values())))

</pallas_src>

<mosaic_0001>
#map = affine_map<(d0, d1) -> (0, 0)>
#map1 = affine_map<(d0, d1) -> (0)>
module attributes {stable_mosaic.version = 14 : i64} {
  func.func @_deg_body(%arg0: i32, %arg1: i32, %arg2: memref<1x1600000xi32, #tpu.memory_space<hbm>>, %arg3: memref<6272xf32, #tpu.memory_space<hbm>>, %arg4: memref<100352xf32, #tpu.memory_space<hbm>>, %arg5: memref<100352xf32, #tpu.memory_space<hbm>>, %arg6: memref<100352xf32, #tpu.memory_space<vmem_shared>>, %arg7: memref<1280xf32, #tpu.memory_space<vmem>>) attributes {dimension_semantics = [#tpu.dimension_semantics<core_parallel>, #tpu.dimension_semantics<subcore_parallel>], iteration_bounds = array<i64: 2, 16>, scalar_prefetch = 0 : i64, scratch_operands = 2 : i64, tpu.core_type = #tpu.core_type<sc_vector_subcore>, window_params = [{transform_indices = #map}, {transform_indices = #map1}, {transform_indices = #map1}, {transform_indices = #map1}]} {
    %mul3A = arith.constant 6272 : i32
    %mul3A_0 = arith.muli %arg1, %mul3A : i32
    "tpu.region"() ({
      %run_scoped3A = tpu.sem_alloc : memref<!tpu.dma_semaphore, #tpu.memory_space<semaphore_mem>>
      %dma_start3A = tpu.memref_slice %arg6[%mul3A_0] : memref<100352xf32, #tpu.memory_space<vmem_shared>> -> memref<6272xf32, #tpu.memory_space<vmem_shared>>
      tpu.enqueue_dma source(%arg3 : memref<6272xf32, #tpu.memory_space<hbm>>) target(%dma_start3A : memref<6272xf32, #tpu.memory_space<vmem_shared>>) target_semaphore(%run_scoped3A : memref<!tpu.dma_semaphore, #tpu.memory_space<semaphore_mem>>)
      %dma_wait3A = tpu.memref_slice %arg6[%mul3A_0] : memref<100352xf32, #tpu.memory_space<vmem_shared>> -> memref<6272xf32, #tpu.memory_space<vmem_shared>>
      tpu.wait_dma2 semaphore(%run_scoped3A : memref<!tpu.dma_semaphore, #tpu.memory_space<semaphore_mem>>) src(%arg3 : memref<6272xf32, #tpu.memory_space<hbm>>) dst(%dma_wait3A : memref<6272xf32, #tpu.memory_space<vmem_shared>>)
      tpu.yield
    }) : () -> ()
    %scan3A = arith.constant 0 : i32
    %scan3A_1 = arith.constant 80 : i32
    %scan3A_2 = arith.addi %scan3A, %scan3A_1 : i32
    %scan3A_3 = arith.constant 1 : i32
    scf.for %scan3A_31 = %scan3A to %scan3A_2 step %scan3A_3  : i32 {
      %mul3A_32 = arith.constant 16 : i32
      %mul3A_33 = arith.muli %scan3A_31, %mul3A_32 : i32
      %add3A_34 = arith.constant 0 : i32
      %add3A_35 = arith.addi %add3A_34, %mul3A_33 : i32
      %broadcast_in_dim3A = arith.constant 1.000000e+00 : f32
      %broadcast_in_dim3A_36 = vector.broadcast %broadcast_in_dim3A : f32 to vector<16xf32>
      %swap3A = arith.index_cast %add3A_35 : i32 to index
      %swap3A_37 = tpu.vector_load %arg7[%swap3A] {strides = array<i32>} : memref<1280xf32, #tpu.memory_space<vmem>>, vector<16xf32>,
      %swap3A_38 = vector.shape_cast %swap3A_37 : vector<16xf32> to vector<16xf32>
      %swap3A_39 = vector.shape_cast %broadcast_in_dim3A_36 : vector<16xf32> to vector<16xf32>
      tpu.vector_store %arg7[%swap3A], %swap3A_39 {strides = array<i32>} : memref<1280xf32, #tpu.memory_space<vmem>>, vector<16xf32>,
    }
    %scan3A_4 = arith.constant 80 : i32
    %barrier3A = arith.constant 0 : index
    tpu.barrier barrier_id(%barrier3A)
    %mul3A_5 = arith.constant 1 : i32
    %mul3A_6 = arith.muli %arg1, %mul3A_5 : i32
    %add3A = arith.constant 0 : i32
    %add3A_7 = arith.addi %add3A, %mul3A_6 : i32
    %mul3A_8 = arith.constant 16 : i32
    %mul3A_9 = arith.muli %arg0, %mul3A_8 : i32
    %add3A_10 = arith.addi %add3A_7, %mul3A_9 : i32
    %lt3A = arith.constant 2 : i32
    %lt3A_11 = arith.cmpi slt, %add3A_10, %lt3A : i32
    %jit3A = arith.constant 40 : i32
    %jit3A_12 = arith.constant 39 : i32
    %select_n3A = arith.select %lt3A_11, %jit3A, %jit3A_12 : i32
    %lt3A_13 = arith.constant 2 : i32
    %lt3A_14 = arith.cmpi slt, %add3A_10, %lt3A_13 : i32
    %mul3A_15 = arith.muli %add3A_10, %select_n3A : i32
    %mul3A_16 = arith.constant 39 : i32
    %mul3A_17 = arith.muli %add3A_10, %mul3A_16 : i32
    %add3A_18 = arith.constant 2 : i32
    %add3A_19 = arith.addi %mul3A_17, %add3A_18 : i32
    %select_n3A_20 = arith.select %lt3A_14, %mul3A_15, %add3A_19 : i32
    %mul3A_21 = arith.constant 1 : i32
    %mul3A_22 = arith.muli %mul3A_21, %select_n3A : i32
    "tpu.region"() ({
      %run_scoped3A = memref.alloca() : memref<2x1x1280xi32, #tpu.memory_space<vmem>>
      %run_scoped3A_31 = tpu.sem_alloc : memref<2x!tpu.dma_semaphore, #tpu.memory_space<semaphore_mem>>
      %gt3A = arith.constant 0 : i32
      %gt3A_32 = arith.cmpi sgt, %mul3A_22, %gt3A : i32
      %convert_element_type3A_33 = arith.extui %gt3A_32 : i1 to i32
      %cond3A_34 = arith.constant 0 : i32
      %cond3A_35 = arith.cmpi ne, %convert_element_type3A_33, %cond3A_34 : i32
      scf.if %cond3A_35 {
        %mul3A_36 = arith.constant 1 : i32
        %mul3A_37 = arith.muli %mul3A_36, %select_n3A : i32
        %sub3A = arith.constant 1 : i32
        %sub3A_38 = arith.subi %mul3A_37, %sub3A : i32
        %eq3A_39 = arith.constant 0 : i32
        %eq3A_40 = arith.cmpi eq, %sub3A_38, %eq3A_39 : i32
        %add3A_41 = arith.constant 0 : i32
        %add3A_42 = arith.addi %add3A_41, %select_n3A_20 : i32
        %select_n3A_43 = arith.constant true
        %select_n3A_44 = arith.constant 0 : i32
        %select_n3A_45 = arith.constant -1 : i32
        %select_n3A_46 = arith.select %select_n3A_43, %select_n3A_45, %select_n3A_44 : i32
        %eq3A_47 = arith.constant -1 : i32
        %eq3A_48 = arith.cmpi eq, %select_n3A_46, %eq3A_47 : i32
        %sub3A_49 = arith.constant 1 : i32
        %sub3A_50 = arith.subi %select_n3A, %sub3A_49 : i32
        %select_n3A_51 = arith.select %eq3A_48, %sub3A_50, %select_n3A_46 : i32
        %add3A_52 = arith.addi %select_n3A_51, %select_n3A_20 : i32
        %select_n3A_53 = arith.constant true
        %select_n3A_54 = arith.constant 0 : i32
        %select_n3A_55 = arith.constant 1 : i32
        %select_n3A_56 = arith.select %select_n3A_53, %select_n3A_55, %select_n3A_54 : i32
        %eq3A_57 = arith.cmpi eq, %select_n3A_56, %select_n3A : i32
        %select_n3A_58 = arith.constant 0 : i32
        %select_n3A_59 = arith.select %eq3A_57, %select_n3A_58, %select_n3A_56 : i32
        %add3A_60 = arith.addi %select_n3A_59, %select_n3A_20 : i32
        %add3A_61 = arith.constant 1 : i32
        %add3A_62 = arith.addi %select_n3A_59, %add3A_61 : i32
        %select_n3A_63 = arith.constant true
        %select_n3A_64 = arith.select %select_n3A_63, %add3A_62, %select_n3A_59 : i32
        %eq3A_65 = arith.cmpi eq, %select_n3A_64, %select_n3A : i32
        %select_n3A_66 = arith.constant 0 : i32
        %select_n3A_67 = arith.select %eq3A_65, %select_n3A_66, %select_n3A_64 : i32
        %add3A_68 = arith.addi %select_n3A_67, %select_n3A_20 : i32
        "tpu.trace_start"() <{level = 10 : i32, message = "ep_initialize_0"}> : () -> ()
        %rem3A = arith.constant 0 : i32
        %rem3A_69 = arith.constant 2 : i32
        %rem3A_70 = arith.remui %rem3A, %rem3A_69 : i32
        %mul3A_71 = arith.constant 1280 : i32
        %mul3A_72 = arith.muli %mul3A_71, %add3A_42 : i32
        %dma_start3A = arith.constant 0 : i32
        %dma_start3A_73 = arith.constant 0 : i32
        %dma_start3A_74 = tpu.memref_slice %run_scoped3A[%rem3A_70, %dma_start3A, %dma_start3A_73] : memref<2x1x1280xi32, #tpu.memory_space<vmem>> -> memref<1x1x1280xi32, #tpu.memory_space<vmem>>
        %dma_start3A_75 = tpu.memref_squeeze %dma_start3A_74 : memref<1x1x1280xi32, #tpu.memory_space<vmem>> -> memref<1x1280xi32, #tpu.memory_space<vmem>>
        %dma_start3A_76 = arith.constant 0 : i32
        %dma_start3A_77 = tpu.memref_slice %arg2[%dma_start3A_76, %mul3A_72] : memref<1x1600000xi32, #tpu.memory_space<hbm>> -> memref<1x1280xi32, #tpu.memory_space<hbm>>
        %dma_start3A_78 = tpu.memref_slice %run_scoped3A_31[%rem3A_70] : memref<2x!tpu.dma_semaphore, #tpu.memory_space<semaphore_mem>> -> memref<1x!tpu.dma_semaphore, #tpu.memory_space<semaphore_mem>>
        %dma_start3A_79 = tpu.memref_squeeze %dma_start3A_78 : memref<1x!tpu.dma_semaphore, #tpu.memory_space<semaphore_mem>> -> memref<!tpu.dma_semaphore, #tpu.memory_space<semaphore_mem>>
        %dma_start3A_80 = arith.constant 0 : i32
        %dma_start3A_81 = arith.constant 0 : i32
        %dma_start3A_82 = tpu.memref_slice %run_scoped3A[%rem3A_70, %dma_start3A_80, %dma_start3A_81] : memref<2x1x1280xi32, #tpu.memory_space<vmem>> -> memref<1x1x1280xi32, #tpu.memory_space<vmem>>
        %dma_start3A_83 = tpu.memref_squeeze %dma_start3A_82 : memref<1x1x1280xi32, #tpu.memory_space<vmem>> -> memref<1x1280xi32, #tpu.memory_space<vmem>>
        %dma_start3A_84 = arith.constant 0 : i32
        %dma_start3A_85 = tpu.memref_slice %arg2[%dma_start3A_84, %mul3A_72] : memref<1x1600000xi32, #tpu.memory_space<hbm>> -> memref<1x1280xi32, #tpu.memory_space<hbm>>
        tpu.enqueue_dma source(%dma_start3A_85 : memref<1x1280xi32, #tpu.memory_space<hbm>>) target(%dma_start3A_83 : memref<1x1280xi32, #tpu.memory_space<vmem>>) target_semaphore(%dma_start3A_79 : memref<!tpu.dma_semaphore, #tpu.memory_space<semaphore_mem>>)
        %add3A_86 = arith.constant 0 : i32
        %add3A_87 = arith.constant 1 : i32
        %add3A_88 = arith.addi %add3A_86, %add3A_87 : i32
        %select_n3A_89 = arith.constant true
        %select_n3A_90 = arith.constant 0 : i32
        %select_n3A_91 = arith.select %select_n3A_89, %add3A_88, %select_n3A_90 : i32
        %while3A = arith.constant 0 : i32
        %while3A_92 = arith.constant 0 : i32
        %while3A_93 = arith.constant 0 : i32
        "tpu.trace_stop"() : () -> ()
        %while3A_94 = arith.subi %mul3A_22, %while3A : i32
        %while3A_95 = arith.addi %while3A, %while3A_94 : i32
        %while3A_96 = arith.constant 1 : i32
        %while3A_97 = arith.divsi %while3A_94, %while3A_96 : i32
        %while3A_98 = arith.muli %while3A_97, %while3A_96 : i32
        %while3A_99 = arith.addi %while3A, %while3A_98 : i32
        %while3A_100 = arith.constant 1 : i32
        %while3A_101:3 = scf.for %while3A_152 = %while3A to %while3A_99 step %while3A_100 iter_args(%while3A_153 = %select_n3A_91, %while3A_154 = %while3A_92, %while3A_155 = %while3A_93) -> (i32, i32, i32)  : i32 {
          %mul3A_156 = arith.constant 1 : i32
          %mul3A_157 = arith.muli %mul3A_156, %select_n3A : i32
          %eq3A_158 = arith.constant 0 : i32
          %eq3A_159 = arith.cmpi eq, %while3A_152, %eq3A_158 : i32
          %sub3A_160 = arith.constant 1 : i32
          %sub3A_161 = arith.subi %mul3A_157, %sub3A_160 : i32
          %eq3A_162 = arith.cmpi eq, %while3A_152, %sub3A_161 : i32
          %add3A_163 = arith.addi %while3A_155, %select_n3A_20 : i32
          %sub3A_164 = arith.constant 1 : i32
          %sub3A_165 = arith.subi %while3A_155, %sub3A_164 : i32
          %select_n3A_166 = arith.constant true
          %select_n3A_167 = arith.select %select_n3A_166, %sub3A_165, %while3A_155 : i32
          %eq3A_168 = arith.constant -1 : i32
          %eq3A_169 = arith.cmpi eq, %select_n3A_167, %eq3A_168 : i32
          %sub3A_170 = arith.constant 1 : i32
          %sub3A_171 = arith.subi %select_n3A, %sub3A_170 : i32
          %select_n3A_172 = arith.select %eq3A_169, %sub3A_171, %select_n3A_167 : i32
          %add3A_173 = arith.addi %select_n3A_172, %select_n3A_20 : i32
          %add3A_174 = arith.constant 1 : i32
          %add3A_175 = arith.addi %while3A_155, %add3A_174 : i32
          %select_n3A_176 = arith.constant true
          %select_n3A_177 = arith.select %select_n3A_176, %add3A_175, %while3A_155 : i32
          %eq3A_178 = arith.cmpi eq, %select_n3A_177, %select_n3A : i32
          %select_n3A_179 = arith.constant 0 : i32
          %select_n3A_180 = arith.select %eq3A_178, %select_n3A_179, %select_n3A_177 : i32
          %add3A_181 = arith.addi %select_n3A_180, %select_n3A_20 : i32
          %add3A_182 = arith.constant 1 : i32
          %add3A_183 = arith.addi %select_n3A_180, %add3A_182 : i32
          %select_n3A_184 = arith.constant true
          %select_n3A_185 = arith.select %select_n3A_184, %add3A_183, %select_n3A_180 : i32
          %eq3A_186 = arith.cmpi eq, %select_n3A_185, %select_n3A : i32
          %select_n3A_187 = arith.constant 0 : i32
          %select_n3A_188 = arith.select %eq3A_186, %select_n3A_187, %select_n3A_185 : i32
          %add3A_189 = arith.addi %select_n3A_188, %select_n3A_20 : i32
          %ne3A = arith.cmpi ne, %add3A_163, %add3A_181 : i32
          %or3A = arith.constant false
          %or3A_190 = arith.ori %or3A, %ne3A : i1
          %sub3A_191 = arith.constant 2 : i32
          %sub3A_192 = arith.subi %mul3A_157, %sub3A_191 : i32
          %add3A_193 = arith.constant 1 : i32
          %add3A_194 = arith.addi %sub3A_192, %add3A_193 : i32
          %ge3A = arith.cmpi sge, %while3A_152, %add3A_194 : i32
          %not3A = arith.constant true
          %not3A_195 = arith.xori %ge3A, %not3A : i1
          %and3A = arith.andi %or3A_190, %not3A_195 : i1
          %convert_element_type3A_196 = arith.extui %and3A : i1 to i32
          %cond3A_197 = arith.constant 0 : i32
          %cond3A_198 = arith.cmpi ne, %convert_element_type3A_196, %cond3A_197 : i32
          scf.if %cond3A_198 {
            "tpu.trace_start"() <{level = 10 : i32, message = "ep_copy_in"}> : () -> ()
            %rem3A_248 = arith.constant 2 : i32
            %rem3A_249 = arith.remui %while3A_153, %rem3A_248 : i32
            %mul3A_250 = arith.constant 1280 : i32
            %mul3A_251 = arith.muli %mul3A_250, %add3A_181 : i32
            %dma_start3A_252 = arith.constant 0 : i32
            %dma_start3A_253 = arith.constant 0 : i32
            %dma_start3A_254 = tpu.memref_slice %run_scoped3A[%rem3A_249, %dma_start3A_252, %dma_start3A_253] : memref<2x1x1280xi32, #tpu.memory_space<vmem>> -> memref<1x1x1280xi32, #tpu.memory_space<vmem>>
            %dma_start3A_255 = tpu.memref_squeeze %dma_start3A_254 : memref<1x1x1280xi32, #tpu.memory_space<vmem>> -> memref<1x1280xi32, #tpu.memory_space<vmem>>
            %dma_start3A_256 = arith.constant 0 : i32
            %dma_start3A_257 = tpu.memref_slice %arg2[%dma_start3A_256, %mul3A_251] : memref<1x1600000xi32, #tpu.memory_space<hbm>> -> memref<1x1280xi32, #tpu.memory_space<hbm>>
            %dma_start3A_258 = tpu.memref_slice %run_scoped3A_31[%rem3A_249] : memref<2x!tpu.dma_semaphore, #tpu.memory_space<semaphore_mem>> -> memref<1x!tpu.dma_semaphore, #tpu.memory_space<semaphore_mem>>
            %dma_start3A_259 = tpu.memref_squeeze %dma_start3A_258 : memref<1x!tpu.dma_semaphore, #tpu.memory_space<semaphore_mem>> -> memref<!tpu.dma_semaphore, #tpu.memory_space<semaphore_mem>>
            %dma_start3A_260 = arith.constant 0 : i32
            %dma_start3A_261 = arith.constant 0 : i32
            %dma_start3A_262 = tpu.memref_slice %run_scoped3A[%rem3A_249, %dma_start3A_260, %dma_start3A_261] : memref<2x1x1280xi32, #tpu.memory_space<vmem>> -> memref<1x1x1280xi32, #tpu.memory_space<vmem>>
            %dma_start3A_263 = tpu.memref_squeeze %dma_start3A_262 : memref<1x1x1280xi32, #tpu.memory_space<vmem>> -> memref<1x1280xi32, #tpu.memory_space<vmem>>
            %dma_start3A_264 = arith.constant 0 : i32
            %dma_start3A_265 = tpu.memref_slice %arg2[%dma_start3A_264, %mul3A_251] : memref<1x1600000xi32, #tpu.memory_space<hbm>> -> memref<1x1280xi32, #tpu.memory_space<hbm>>
            tpu.enqueue_dma source(%dma_start3A_265 : memref<1x1280xi32, #tpu.memory_space<hbm>>) target(%dma_start3A_263 : memref<1x1280xi32, #tpu.memory_space<vmem>>) target_semaphore(%dma_start3A_259 : memref<!tpu.dma_semaphore, #tpu.memory_space<semaphore_mem>>)
            "tpu.trace_stop"() : () -> ()
          } else {
          }
          %and3A_199 = arith.constant true
          %and3A_200 = arith.andi %and3A, %and3A_199 : i1
          %add3A_201 = arith.constant 1 : i32
          %add3A_202 = arith.addi %while3A_153, %add3A_201 : i32
          %select_n3A_203 = arith.select %and3A_200, %add3A_202, %while3A_153 : i32
          %ne3A_204 = arith.cmpi ne, %add3A_163, %add3A_173 : i32
          %or3A_205 = arith.constant false
          %or3A_206 = arith.ori %or3A_205, %ne3A_204 : i1
          %or3A_207 = arith.ori %or3A_206, %eq3A_159 : i1
          %convert_element_type3A_208 = arith.extui %or3A_207 : i1 to i32
          %cond3A_209 = arith.constant 0 : i32
          %cond3A_210 = arith.cmpi ne, %convert_element_type3A_208, %cond3A_209 : i32
          scf.if %cond3A_210 {
            "tpu.trace_start"() <{level = 10 : i32, message = "ep_wait_in"}> : () -> ()
            %mul3A_248 = arith.constant 1280 : i32
            %mul3A_249 = arith.muli %mul3A_248, %add3A_163 : i32
            %rem3A_250 = arith.constant 2 : i32
            %rem3A_251 = arith.remui %while3A_154, %rem3A_250 : i32
            %dma_wait3A = arith.constant 0 : i32
            %dma_wait3A_252 = arith.constant 0 : i32
            %dma_wait3A_253 = tpu.memref_slice %run_scoped3A[%rem3A_251, %dma_wait3A, %dma_wait3A_252] : memref<2x1x1280xi32, #tpu.memory_space<vmem>> -> memref<1x1x1280xi32, #tpu.memory_space<vmem>>
            %dma_wait3A_254 = tpu.memref_squeeze %dma_wait3A_253 : memref<1x1x1280xi32, #tpu.memory_space<vmem>> -> memref<1x1280xi32, #tpu.memory_space<vmem>>
            %dma_wait3A_255 = arith.constant 0 : i32
            %dma_wait3A_256 = tpu.memref_slice %arg2[%dma_wait3A_255, %mul3A_249] : memref<1x1600000xi32, #tpu.memory_space<hbm>> -> memref<1x1280xi32, #tpu.memory_space<hbm>>
            %dma_wait3A_257 = tpu.memref_slice %run_scoped3A_31[%rem3A_251] : memref<2x!tpu.dma_semaphore, #tpu.memory_space<semaphore_mem>> -> memref<1x!tpu.dma_semaphore, #tpu.memory_space<semaphore_mem>>
            %dma_wait3A_258 = tpu.memref_squeeze %dma_wait3A_257 : memref<1x!tpu.dma_semaphore, #tpu.memory_space<semaphore_mem>> -> memref<!tpu.dma_semaphore, #tpu.memory_space<semaphore_mem>>
            %dma_wait3A_259 = arith.constant 0 : i32
            %dma_wait3A_260 = arith.constant 0 : i32
            %dma_wait3A_261 = tpu.memref_slice %run_scoped3A[%rem3A_251, %dma_wait3A_259, %dma_wait3A_260] : memref<2x1x1280xi32, #tpu.memory_space<vmem>> -> memref<1x1x1280xi32, #tpu.memory_space<vmem>>
            %dma_wait3A_262 = tpu.memref_squeeze %dma_wait3A_261 : memref<1x1x1280xi32, #tpu.memory_space<vmem>> -> memref<1x1280xi32, #tpu.memory_space<vmem>>
            %dma_wait3A_263 = arith.constant 0 : i32
            %dma_wait3A_264 = tpu.memref_slice %arg2[%dma_wait3A_263, %mul3A_249] : memref<1x1600000xi32, #tpu.memory_space<hbm>> -> memref<1x1280xi32, #tpu.memory_space<hbm>>
            tpu.wait_dma2 semaphore(%dma_wait3A_258 : memref<!tpu.dma_semaphore, #tpu.memory_space<semaphore_mem>>) src(%dma_wait3A_264 : memref<1x1280xi32, #tpu.memory_space<hbm>>) dst(%dma_wait3A_262 : memref<1x1280xi32, #tpu.memory_space<vmem>>)
            "tpu.trace_stop"() : () -> ()
          } else {
          }
          %rem3A_211 = arith.constant 2 : i32
          %rem3A_212 = arith.remui %while3A_154, %rem3A_211 : i32
          %run_scoped3A_213 = arith.constant 0 : i32
          "tpu.trace_start"() <{level = 10 : i32, message = "ep_run_kernel"}> : () -> ()
          "tpu.region"() ({
            %run_scoped3A_248 = tpu.sem_alloc : memref<!tpu.dma_semaphore, #tpu.memory_space<semaphore_mem>>
            %dma_start3A_249 = arith.constant 0 : i32
            %dma_start3A_250 = arith.constant 0 : i32
            %dma_start3A_251 = tpu.memref_slice %run_scoped3A[%rem3A_212, %dma_start3A_249, %dma_start3A_250] : memref<2x1x1280xi32, #tpu.memory_space<vmem>> -> memref<1x1x1280xi32, #tpu.memory_space<vmem>>
            %dma_start3A_252 = tpu.memref_squeeze %dma_start3A_251 : memref<1x1x1280xi32, #tpu.memory_space<vmem>> -> memref<1x1280xi32, #tpu.memory_space<vmem>>
            %dma_start3A_253 = arith.constant 0 : i32
            %dma_start3A_254 = tpu.memref_slice %dma_start3A_252[%run_scoped3A_213, %dma_start3A_253] : memref<1x1280xi32, #tpu.memory_space<vmem>> -> memref<1x1280xi32, #tpu.memory_space<vmem>>
            %dma_start3A_255 = tpu.memref_squeeze %dma_start3A_254 : memref<1x1280xi32, #tpu.memory_space<vmem>> -> memref<1280xi32, #tpu.memory_space<vmem>>
            %dma_start3A_256 = arith.constant 0 : i32
            %dma_start3A_257 = tpu.memref_slice %arg6[%dma_start3A_256] : memref<100352xf32, #tpu.memory_space<vmem_shared>> -> memref<100352xf32, #tpu.memory_space<vmem_shared>>
            tpu.enqueue_indirect_dma source(%arg7 : memref<1280xf32, #tpu.memory_space<vmem>>) target(%dma_start3A_257 : memref<100352xf32, #tpu.memory_space<vmem_shared>>) offsets(%dma_start3A_255 : memref<1280xi32, #tpu.memory_space<vmem>>) semaphore(%run_scoped3A_248 : memref<!tpu.dma_semaphore, #tpu.memory_space<semaphore_mem>>) {add = true}
            %dma_wait3A = arith.constant 0 : i32
            %dma_wait3A_258 = arith.constant 0 : i32
            %dma_wait3A_259 = tpu.memref_slice %run_scoped3A[%rem3A_212, %dma_wait3A, %dma_wait3A_258] : memref<2x1x1280xi32, #tpu.memory_space<vmem>> -> memref<1x1x1280xi32, #tpu.memory_space<vmem>>
            %dma_wait3A_260 = tpu.memref_squeeze %dma_wait3A_259 : memref<1x1x1280xi32, #tpu.memory_space<vmem>> -> memref<1x1280xi32, #tpu.memory_space<vmem>>
            %dma_wait3A_261 = arith.constant 0 : i32
            %dma_wait3A_262 = tpu.memref_slice %dma_wait3A_260[%run_scoped3A_213, %dma_wait3A_261] : memref<1x1280xi32, #tpu.memory_space<vmem>> -> memref<1x1280xi32, #tpu.memory_space<vmem>>
            %dma_wait3A_263 = tpu.memref_squeeze %dma_wait3A_262 : memref<1x1280xi32, #tpu.memory_space<vmem>> -> memref<1280xi32, #tpu.memory_space<vmem>>
            %dma_wait3A_264 = arith.constant 0 : i32
            %dma_wait3A_265 = tpu.memref_slice %arg6[%dma_wait3A_264] : memref<100352xf32, #tpu.memory_space<vmem_shared>> -> memref<100352xf32, #tpu.memory_space<vmem_shared>>
            tpu.wait_indirect_dma semaphore(%run_scoped3A_248 : memref<!tpu.dma_semaphore, #tpu.memory_space<semaphore_mem>>) src(%arg7 : memref<1280xf32, #tpu.memory_space<vmem>>) dst(%dma_wait3A_265 : memref<100352xf32, #tpu.memory_space<vmem_shared>>)
            tpu.yield
          }) : () -> ()
          "tpu.trace_stop"() : () -> ()
          %ne3A_214 = arith.cmpi ne, %add3A_163, %add3A_181 : i32
          %or3A_215 = arith.constant false
          %or3A_216 = arith.ori %or3A_215, %ne3A_214 : i1
          %or3A_217 = arith.ori %or3A_216, %eq3A_162 : i1
          %convert_element_type3A_218 = arith.extui %or3A_217 : i1 to i32
          %cond3A_219 = arith.constant 0 : i32
          %cond3A_220 = arith.cmpi ne, %convert_element_type3A_218, %cond3A_219 : i32
          scf.if %cond3A_220 {
          } else {
          }
          %and3A_221 = arith.constant false
          %and3A_222 = arith.andi %or3A_217, %and3A_221 : i1
          %ne3A_223 = arith.cmpi ne, %add3A_163, %add3A_173 : i32
          %or3A_224 = arith.constant false
          %or3A_225 = arith.ori %or3A_224, %ne3A_223 : i1
          %not3A_226 = arith.constant true
          %not3A_227 = arith.xori %eq3A_159, %not3A_226 : i1
          %and3A_228 = arith.andi %or3A_225, %not3A_227 : i1
          %convert_element_type3A_229 = arith.extui %and3A_228 : i1 to i32
          %cond3A_230 = arith.constant 0 : i32
          %cond3A_231 = arith.cmpi ne, %convert_element_type3A_229, %cond3A_230 : i32
          scf.if %cond3A_231 {
          } else {
          }
          %and3A_232 = arith.constant false
          %and3A_233 = arith.andi %and3A_228, %and3A_232 : i1
          %ne3A_234 = arith.cmpi ne, %add3A_163, %add3A_181 : i32
          %or3A_235 = arith.constant false
          %or3A_236 = arith.ori %or3A_235, %ne3A_234 : i1
          %or3A_237 = arith.ori %or3A_236, %eq3A_162 : i1
          %add3A_238 = arith.constant 1 : i32
          %add3A_239 = arith.addi %while3A_154, %add3A_238 : i32
          %select_n3A_240 = arith.select %or3A_237, %add3A_239, %while3A_154 : i32
          %add3A_241 = arith.constant 1 : i32
          %add3A_242 = arith.addi %while3A_155, %add3A_241 : i32
          %select_n3A_243 = arith.constant true
          %select_n3A_244 = arith.select %select_n3A_243, %add3A_242, %while3A_155 : i32
          %eq3A_245 = arith.cmpi eq, %select_n3A_244, %select_n3A : i32
          %select_n3A_246 = arith.constant 0 : i32
          %select_n3A_247 = arith.select %eq3A_245, %select_n3A_246, %select_n3A_244 : i32
          scf.yield %select_n3A_203, %select_n3A_240, %select_n3A_247 : i32, i32, i32
        }
        %while3A_102 = arith.constant 1 : i32
        %while3A_103:3 = scf.for %while3A_152 = %while3A_99 to %while3A_95 step %while3A_102 iter_args(%while3A_153 = %while3A_101#0, %while3A_154 = %while3A_101#1, %while3A_155 = %while3A_101#2) -> (i32, i32, i32)  : i32 {
          %mul3A_156 = arith.constant 1 : i32
          %mul3A_157 = arith.muli %mul3A_156, %select_n3A : i32
          %eq3A_158 = arith.constant 0 : i32
          %eq3A_159 = arith.cmpi eq, %while3A_152, %eq3A_158 : i32
          %sub3A_160 = arith.constant 1 : i32
          %sub3A_161 = arith.subi %mul3A_157, %sub3A_160 : i32
          %eq3A_162 = arith.cmpi eq, %while3A_152, %sub3A_161 : i32
          %add3A_163 = arith.addi %while3A_155, %select_n3A_20 : i32
          %sub3A_164 = arith.constant 1 : i32
          %sub3A_165 = arith.subi %while3A_155, %sub3A_164 : i32
          %select_n3A_166 = arith.constant true
          %select_n3A_167 = arith.select %select_n3A_166, %sub3A_165, %while3A_155 : i32
          %eq3A_168 = arith.constant -1 : i32
          %eq3A_169 = arith.cmpi eq, %select_n3A_167, %eq3A_168 : i32
          %sub3A_170 = arith.constant 1 : i32
          %sub3A_171 = arith.subi %select_n3A, %sub3A_170 : i32
          %select_n3A_172 = arith.select %eq3A_169, %sub3A_171, %select_n3A_167 : i32
          %add3A_173 = arith.addi %select_n3A_172, %select_n3A_20 : i32
          %add3A_174 = arith.constant 1 : i32
          %add3A_175 = arith.addi %while3A_155, %add3A_174 : i32
          %select_n3A_176 = arith.constant true
          %select_n3A_177 = arith.select %select_n3A_176, %add3A_175, %while3A_155 : i32
          %eq3A_178 = arith.cmpi eq, %select_n3A_177, %select_n3A : i32
          %select_n3A_179 = arith.constant 0 : i32
          %select_n3A_180 = arith.select %eq3A_178, %select_n3A_179, %select_n3A_177 : i32
          %add3A_181 = arith.addi %select_n3A_180, %select_n3A_20 : i32
          %add3A_182 = arith.constant 1 : i32
          %add3A_183 = arith.addi %select_n3A_180, %add3A_182 : i32
          %select_n3A_184 = arith.constant true
          %select_n3A_185 = arith.select %select_n3A_184, %add3A_183, %select_n3A_180 : i32
          %eq3A_186 = arith.cmpi eq, %select_n3A_185, %select_n3A : i32
          %select_n3A_187 = arith.constant 0 : i32
          %select_n3A_188 = arith.select %eq3A_186, %select_n3A_187, %select_n3A_185 : i32
          %add3A_189 = arith.addi %select_n3A_188, %select_n3A_20 : i32
          %ne3A = arith.cmpi ne, %add3A_163, %add3A_181 : i32
          %or3A = arith.constant false
          %or3A_190 = arith.ori %or3A, %ne3A : i1
          %sub3A_191 = arith.constant 2 : i32
          %sub3A_192 = arith.subi %mul3A_157, %sub3A_191 : i32
          %add3A_193 = arith.constant 1 : i32
          %add3A_194 = arith.addi %sub3A_192, %add3A_193 : i32
          %ge3A = arith.cmpi sge, %while3A_152, %add3A_194 : i32
          %not3A = arith.constant true
          %not3A_195 = arith.xori %ge3A, %not3A : i1
          %and3A = arith.andi %or3A_190, %not3A_195 : i1
          %convert_element_type3A_196 = arith.extui %and3A : i1 to i32
          %cond3A_197 = arith.constant 0 : i32
          %cond3A_198 = arith.cmpi ne, %convert_element_type3A_196, %cond3A_197 : i32
          scf.if %cond3A_198 {
            "tpu.trace_start"() <{level = 10 : i32, message = "ep_copy_in"}> : () -> ()
            %rem3A_248 = arith.constant 2 : i32
            %rem3A_249 = arith.remui %while3A_153, %rem3A_248 : i32
            %mul3A_250 = arith.constant 1280 : i32
            %mul3A_251 = arith.muli %mul3A_250, %add3A_181 : i32
            %dma_start3A_252 = arith.constant 0 : i32
            %dma_start3A_253 = arith.constant 0 : i32
            %dma_start3A_254 = tpu.memref_slice %run_scoped3A[%rem3A_249, %dma_start3A_252, %dma_start3A_253] : memref<2x1x1280xi32, #tpu.memory_space<vmem>> -> memref<1x1x1280xi32, #tpu.memory_space<vmem>>
            %dma_start3A_255 = tpu.memref_squeeze %dma_start3A_254 : memref<1x1x1280xi32, #tpu.memory_space<vmem>> -> memref<1x1280xi32, #tpu.memory_space<vmem>>
            %dma_start3A_256 = arith.constant 0 : i32
            %dma_start3A_257 = tpu.memref_slice %arg2[%dma_start3A_256, %mul3A_251] : memref<1x1600000xi32, #tpu.memory_space<hbm>> -> memref<1x1280xi32, #tpu.memory_space<hbm>>
            %dma_start3A_258 = tpu.memref_slice %run_scoped3A_31[%rem3A_249] : memref<2x!tpu.dma_semaphore, #tpu.memory_space<semaphore_mem>> -> memref<1x!tpu.dma_semaphore, #tpu.memory_space<semaphore_mem>>
            %dma_start3A_259 = tpu.memref_squeeze %dma_start3A_258 : memref<1x!tpu.dma_semaphore, #tpu.memory_space<semaphore_mem>> -> memref<!tpu.dma_semaphore, #tpu.memory_space<semaphore_mem>>
            %dma_start3A_260 = arith.constant 0 : i32
            %dma_start3A_261 = arith.constant 0 : i32
            %dma_start3A_262 = tpu.memref_slice %run_scoped3A[%rem3A_249, %dma_start3A_260, %dma_start3A_261] : memref<2x1x1280xi32, #tpu.memory_space<vmem>> -> memref<1x1x1280xi32, #tpu.memory_space<vmem>>
            %dma_start3A_263 = tpu.memref_squeeze %dma_start3A_262 : memref<1x1x1280xi32, #tpu.memory_space<vmem>> -> memref<1x1280xi32, #tpu.memory_space<vmem>>
            %dma_start3A_264 = arith.constant 0 : i32
            %dma_start3A_265 = tpu.memref_slice %arg2[%dma_start3A_264, %mul3A_251] : memref<1x1600000xi32, #tpu.memory_space<hbm>> -> memref<1x1280xi32, #tpu.memory_space<hbm>>
            tpu.enqueue_dma source(%dma_start3A_265 : memref<1x1280xi32, #tpu.memory_space<hbm>>) target(%dma_start3A_263 : memref<1x1280xi32, #tpu.memory_space<vmem>>) target_semaphore(%dma_start3A_259 : memref<!tpu.dma_semaphore, #tpu.memory_space<semaphore_mem>>)
            "tpu.trace_stop"() : () -> ()
          } else {
          }
          %and3A_199 = arith.constant true
          %and3A_200 = arith.andi %and3A, %and3A_199 : i1
          %add3A_201 = arith.constant 1 : i32
          %add3A_202 = arith.addi %while3A_153, %add3A_201 : i32
          %select_n3A_203 = arith.select %and3A_200, %add3A_202, %while3A_153 : i32
          %ne3A_204 = arith.cmpi ne, %add3A_163, %add3A_173 : i32
          %or3A_205 = arith.constant false
          %or3A_206 = arith.ori %or3A_205, %ne3A_204 : i1
          %or3A_207 = arith.ori %or3A_206, %eq3A_159 : i1
          %convert_element_type3A_208 = arith.extui %or3A_207 : i1 to i32
          %cond3A_209 = arith.constant 0 : i32
          %cond3A_210 = arith.cmpi ne, %convert_element_type3A_208, %cond3A_209 : i32
          scf.if %cond3A_210 {
            "tpu.trace_start"() <{level = 10 : i32, message = "ep_wait_in"}> : () -> ()
            %mul3A_248 = arith.constant 1280 : i32
            %mul3A_249 = arith.muli %mul3A_248, %add3A_163 : i32
            %rem3A_250 = arith.constant 2 : i32
            %rem3A_251 = arith.remui %while3A_154, %rem3A_250 : i32
            %dma_wait3A = arith.constant 0 : i32
            %dma_wait3A_252 = arith.constant 0 : i32
            %dma_wait3A_253 = tpu.memref_slice %run_scoped3A[%rem3A_251, %dma_wait3A, %dma_wait3A_252] : memref<2x1x1280xi32, #tpu.memory_space<vmem>> -> memref<1x1x1280xi32, #tpu.memory_space<vmem>>
            %dma_wait3A_254 = tpu.memref_squeeze %dma_wait3A_253 : memref<1x1x1280xi32, #tpu.memory_space<vmem>> -> memref<1x1280xi32, #tpu.memory_space<vmem>>
            %dma_wait3A_255 = arith.constant 0 : i32
            %dma_wait3A_256 = tpu.memref_slice %arg2[%dma_wait3A_255, %mul3A_249] : memref<1x1600000xi32, #tpu.memory_space<hbm>> -> memref<1x1280xi32, #tpu.memory_space<hbm>>
            %dma_wait3A_257 = tpu.memref_slice %run_scoped3A_31[%rem3A_251] : memref<2x!tpu.dma_semaphore, #tpu.memory_space<semaphore_mem>> -> memref<1x!tpu.dma_semaphore, #tpu.memory_space<semaphore_mem>>
            %dma_wait3A_258 = tpu.memref_squeeze %dma_wait3A_257 : memref<1x!tpu.dma_semaphore, #tpu.memory_space<semaphore_mem>> -> memref<!tpu.dma_semaphore, #tpu.memory_space<semaphore_mem>>
            %dma_wait3A_259 = arith.constant 0 : i32
            %dma_wait3A_260 = arith.constant 0 : i32
            %dma_wait3A_261 = tpu.memref_slice %run_scoped3A[%rem3A_251, %dma_wait3A_259, %dma_wait3A_260] : memref<2x1x1280xi32, #tpu.memory_space<vmem>> -> memref<1x1x1280xi32, #tpu.memory_space<vmem>>
            %dma_wait3A_262 = tpu.memref_squeeze %dma_wait3A_261 : memref<1x1x1280xi32, #tpu.memory_space<vmem>> -> memref<1x1280xi32, #tpu.memory_space<vmem>>
            %dma_wait3A_263 = arith.constant 0 : i32
            %dma_wait3A_264 = tpu.memref_slice %arg2[%dma_wait3A_263, %mul3A_249] : memref<1x1600000xi32, #tpu.memory_space<hbm>> -> memref<1x1280xi32, #tpu.memory_space<hbm>>
            tpu.wait_dma2 semaphore(%dma_wait3A_258 : memref<!tpu.dma_semaphore, #tpu.memory_space<semaphore_mem>>) src(%dma_wait3A_264 : memref<1x1280xi32, #tpu.memory_space<hbm>>) dst(%dma_wait3A_262 : memref<1x1280xi32, #tpu.memory_space<vmem>>)
            "tpu.trace_stop"() : () -> ()
          } else {
          }
          %rem3A_211 = arith.constant 2 : i32
          %rem3A_212 = arith.remui %while3A_154, %rem3A_211 : i32
          %run_scoped3A_213 = arith.constant 0 : i32
          "tpu.trace_start"() <{level = 10 : i32, message = "ep_run_kernel"}> : () -> ()
          "tpu.region"() ({
            %run_scoped3A_248 = tpu.sem_alloc : memref<!tpu.dma_semaphore, #tpu.memory_space<semaphore_mem>>
            %dma_start3A_249 = arith.constant 0 : i32
            %dma_start3A_250 = arith.constant 0 : i32
            %dma_start3A_251 = tpu.memref_slice %run_scoped3A[%rem3A_212, %dma_start3A_249, %dma_start3A_250] : memref<2x1x1280xi32, #tpu.memory_space<vmem>> -> memref<1x1x1280xi32, #tpu.memory_space<vmem>>
            %dma_start3A_252 = tpu.memref_squeeze %dma_start3A_251 : memref<1x1x1280xi32, #tpu.memory_space<vmem>> -> memref<1x1280xi32, #tpu.memory_space<vmem>>
            %dma_start3A_253 = arith.constant 0 : i32
            %dma_start3A_254 = tpu.memref_slice %dma_start3A_252[%run_scoped3A_213, %dma_start3A_253] : memref<1x1280xi32, #tpu.memory_space<vmem>> -> memref<1x1280xi32, #tpu.memory_space<vmem>>
            %dma_start3A_255 = tpu.memref_squeeze %dma_start3A_254 : memref<1x1280xi32, #tpu.memory_space<vmem>> -> memref<1280xi32, #tpu.memory_space<vmem>>
            %dma_start3A_256 = arith.constant 0 : i32
            %dma_start3A_257 = tpu.memref_slice %arg6[%dma_start3A_256] : memref<100352xf32, #tpu.memory_space<vmem_shared>> -> memref<100352xf32, #tpu.memory_space<vmem_shared>>
            tpu.enqueue_indirect_dma source(%arg7 : memref<1280xf32, #tpu.memory_space<vmem>>) target(%dma_start3A_257 : memref<100352xf32, #tpu.memory_space<vmem_shared>>) offsets(%dma_start3A_255 : memref<1280xi32, #tpu.memory_space<vmem>>) semaphore(%run_scoped3A_248 : memref<!tpu.dma_semaphore, #tpu.memory_space<semaphore_mem>>) {add = true}
            %dma_wait3A = arith.constant 0 : i32
            %dma_wait3A_258 = arith.constant 0 : i32
            %dma_wait3A_259 = tpu.memref_slice %run_scoped3A[%rem3A_212, %dma_wait3A, %dma_wait3A_258] : memref<2x1x1280xi32, #tpu.memory_space<vmem>> -> memref<1x1x1280xi32, #tpu.memory_space<vmem>>
            %dma_wait3A_260 = tpu.memref_squeeze %dma_wait3A_259 : memref<1x1x1280xi32, #tpu.memory_space<vmem>> -> memref<1x1280xi32, #tpu.memory_space<vmem>>
            %dma_wait3A_261 = arith.constant 0 : i32
            %dma_wait3A_262 = tpu.memref_slice %dma_wait3A_260[%run_scoped3A_213, %dma_wait3A_261] : memref<1x1280xi32, #tpu.memory_space<vmem>> -> memref<1x1280xi32, #tpu.memory_space<vmem>>
            %dma_wait3A_263 = tpu.memref_squeeze %dma_wait3A_262 : memref<1x1280xi32, #tpu.memory_space<vmem>> -> memref<1280xi32, #tpu.memory_space<vmem>>
            %dma_wait3A_264 = arith.constant 0 : i32
            %dma_wait3A_265 = tpu.memref_slice %arg6[%dma_wait3A_264] : memref<100352xf32, #tpu.memory_space<vmem_shared>> -> memref<100352xf32, #tpu.memory_space<vmem_shared>>
            tpu.wait_indirect_dma semaphore(%run_scoped3A_248 : memref<!tpu.dma_semaphore, #tpu.memory_space<semaphore_mem>>) src(%arg7 : memref<1280xf32, #tpu.memory_space<vmem>>) dst(%dma_wait3A_265 : memref<100352xf32, #tpu.memory_space<vmem_shared>>)
            tpu.yield
          }) : () -> ()
          "tpu.trace_stop"() : () -> ()
          %ne3A_214 = arith.cmpi ne, %add3A_163, %add3A_181 : i32
          %or3A_215 = arith.constant false
          %or3A_216 = arith.ori %or3A_215, %ne3A_214 : i1
          %or3A_217 = arith.ori %or3A_216, %eq3A_162 : i1
          %convert_element_type3A_218 = arith.extui %or3A_217 : i1 to i32
          %cond3A_219 = arith.constant 0 : i32
          %cond3A_220 = arith.cmpi ne, %convert_element_type3A_218, %cond3A_219 : i32
          scf.if %cond3A_220 {
          } else {
          }
          %and3A_221 = arith.constant false
          %and3A_222 = arith.andi %or3A_217, %and3A_221 : i1
          %ne3A_223 = arith.cmpi ne, %add3A_163, %add3A_173 : i32
          %or3A_224 = arith.constant false
          %or3A_225 = arith.ori %or3A_224, %ne3A_223 : i1
          %not3A_226 = arith.constant true
          %not3A_227 = arith.xori %eq3A_159, %not3A_226 : i1
          %and3A_228 = arith.andi %or3A_225, %not3A_227 : i1
          %convert_element_type3A_229 = arith.extui %and3A_228 : i1 to i32
          %cond3A_230 = arith.constant 0 : i32
          %cond3A_231 = arith.cmpi ne, %convert_element_type3A_229, %cond3A_230 : i32
          scf.if %cond3A_231 {
          } else {
          }
          %and3A_232 = arith.constant false
          %and3A_233 = arith.andi %and3A_228, %and3A_232 : i1
          %ne3A_234 = arith.cmpi ne, %add3A_163, %add3A_181 : i32
          %or3A_235 = arith.constant false
          %or3A_236 = arith.ori %or3A_235, %ne3A_234 : i1
          %or3A_237 = arith.ori %or3A_236, %eq3A_162 : i1
          %add3A_238 = arith.constant 1 : i32
          %add3A_239 = arith.addi %while3A_154, %add3A_238 : i32
          %select_n3A_240 = arith.select %or3A_237, %add3A_239, %while3A_154 : i32
          %add3A_241 = arith.constant 1 : i32
          %add3A_242 = arith.addi %while3A_155, %add3A_241 : i32
          %select_n3A_243 = arith.constant true
          %select_n3A_244 = arith.select %select_n3A_243, %add3A_242, %while3A_155 : i32
          %eq3A_245 = arith.cmpi eq, %select_n3A_244, %select_n3A : i32
          %select_n3A_246 = arith.constant 0 : i32
          %select_n3A_247 = arith.select %eq3A_245, %select_n3A_246, %select_n3A_244 : i32
          scf.yield %select_n3A_203, %select_n3A_240, %select_n3A_247 : i32, i32, i32
        }
        %sub3A_104 = arith.constant 1 : i32
        %sub3A_105 = arith.subi %while3A_103#2, %sub3A_104 : i32
        %select_n3A_106 = arith.constant true
        %select_n3A_107 = arith.select %select_n3A_106, %sub3A_105, %while3A_103#2 : i32
        %eq3A_108 = arith.constant -1 : i32
        %eq3A_109 = arith.cmpi eq, %select_n3A_107, %eq3A_108 : i32
        %sub3A_110 = arith.constant 1 : i32
        %sub3A_111 = arith.subi %select_n3A, %sub3A_110 : i32
        %select_n3A_112 = arith.select %eq3A_109, %sub3A_111, %select_n3A_107 : i32
        %sub3A_113 = arith.constant 1 : i32
        %sub3A_114 = arith.subi %mul3A_22, %sub3A_113 : i32
        %mul3A_115 = arith.constant 1 : i32
        %mul3A_116 = arith.muli %mul3A_115, %select_n3A : i32
        %eq3A_117 = arith.constant 0 : i32
        %eq3A_118 = arith.cmpi eq, %sub3A_114, %eq3A_117 : i32
        %sub3A_119 = arith.constant 1 : i32
        %sub3A_120 = arith.subi %mul3A_116, %sub3A_119 : i32
        %eq3A_121 = arith.cmpi eq, %sub3A_114, %sub3A_120 : i32
        %add3A_122 = arith.addi %select_n3A_112, %select_n3A_20 : i32
        %sub3A_123 = arith.constant 1 : i32
        %sub3A_124 = arith.subi %select_n3A_112, %sub3A_123 : i32
        %select_n3A_125 = arith.constant true
        %select_n3A_126 = arith.select %select_n3A_125, %sub3A_124, %select_n3A_112 : i32
        %eq3A_127 = arith.constant -1 : i32
        %eq3A_128 = arith.cmpi eq, %select_n3A_126, %eq3A_127 : i32
        %sub3A_129 = arith.constant 1 : i32
        %sub3A_130 = arith.subi %select_n3A, %sub3A_129 : i32
        %select_n3A_131 = arith.select %eq3A_128, %sub3A_130, %select_n3A_126 : i32
        %add3A_132 = arith.addi %select_n3A_131, %select_n3A_20 : i32
        %add3A_133 = arith.constant 1 : i32
        %add3A_134 = arith.addi %select_n3A_112, %add3A_133 : i32
        %select_n3A_135 = arith.constant true
        %select_n3A_136 = arith.select %select_n3A_135, %add3A_134, %select_n3A_112 : i32
        %eq3A_137 = arith.cmpi eq, %select_n3A_136, %select_n3A : i32
        %select_n3A_138 = arith.constant 0 : i32
        %select_n3A_139 = arith.select %eq3A_137, %select_n3A_138, %select_n3A_136 : i32
        %add3A_140 = arith.addi %select_n3A_139, %select_n3A_20 : i32
        %add3A_141 = arith.constant 1 : i32
        %add3A_142 = arith.addi %select_n3A_139, %add3A_141 : i32
        %select_n3A_143 = arith.constant true
        %select_n3A_144 = arith.select %select_n3A_143, %add3A_142, %select_n3A_139 : i32
        %eq3A_145 = arith.cmpi eq, %select_n3A_144, %select_n3A : i32
        %select_n3A_146 = arith.constant 0 : i32
        %select_n3A_147 = arith.select %eq3A_145, %select_n3A_146, %select_n3A_144 : i32
        %add3A_148 = arith.addi %select_n3A_147, %select_n3A_20 : i32
        %convert_element_type3A_149 = arith.extui %eq3A_121 : i1 to i32
        %cond3A_150 = arith.constant 0 : i32
        %cond3A_151 = arith.cmpi ne, %convert_element_type3A_149, %cond3A_150 : i32
        scf.if %cond3A_151 {
        } else {
        }
      } else {
      }
      tpu.yield
    }) : () -> ()
    %barrier3A_23 = arith.constant 0 : index
    tpu.barrier barrier_id(%barrier3A_23)
    %eq3A = arith.constant 0 : i32
    %eq3A_24 = arith.cmpi eq, %arg0, %eq3A : i32
    %convert_element_type3A = arith.extui %eq3A_24 : i1 to i32
    %cond3A = arith.constant 0 : i32
    %cond3A_25 = arith.cmpi ne, %convert_element_type3A, %cond3A : i32
    scf.if %cond3A_25 {
      %mul3A_31 = arith.constant 6272 : i32
      %mul3A_32 = arith.muli %arg1, %mul3A_31 : i32
      %mul3A_33 = arith.constant 6272 : i32
      %mul3A_34 = arith.muli %arg1, %mul3A_33 : i32
      "tpu.region"() ({
        %run_scoped3A = tpu.sem_alloc : memref<!tpu.dma_semaphore, #tpu.memory_space<semaphore_mem>>
        %dma_start3A = tpu.memref_slice %arg4[%mul3A_34] : memref<100352xf32, #tpu.memory_space<hbm>> -> memref<6272xf32, #tpu.memory_space<hbm>>
        %dma_start3A_35 = tpu.memref_slice %arg6[%mul3A_32] : memref<100352xf32, #tpu.memory_space<vmem_shared>> -> memref<6272xf32, #tpu.memory_space<vmem_shared>>
        tpu.enqueue_dma source(%dma_start3A_35 : memref<6272xf32, #tpu.memory_space<vmem_shared>>) target(%dma_start3A : memref<6272xf32, #tpu.memory_space<hbm>>) target_semaphore(%run_scoped3A : memref<!tpu.dma_semaphore, #tpu.memory_space<semaphore_mem>>)
        %dma_wait3A = tpu.memref_slice %arg4[%mul3A_34] : memref<100352xf32, #tpu.memory_space<hbm>> -> memref<6272xf32, #tpu.memory_space<hbm>>
        %dma_wait3A_36 = tpu.memref_slice %arg6[%mul3A_32] : memref<100352xf32, #tpu.memory_space<vmem_shared>> -> memref<6272xf32, #tpu.memory_space<vmem_shared>>
        tpu.wait_dma2 semaphore(%run_scoped3A : memref<!tpu.dma_semaphore, #tpu.memory_space<semaphore_mem>>) src(%dma_wait3A_36 : memref<6272xf32, #tpu.memory_space<vmem_shared>>) dst(%dma_wait3A : memref<6272xf32, #tpu.memory_space<hbm>>)
        tpu.yield
      }) : () -> ()
    } else {
    }
    %eq3A_26 = arith.constant 1 : i32
    %eq3A_27 = arith.cmpi eq, %arg0, %eq3A_26 : i32
    %convert_element_type3A_28 = arith.extui %eq3A_27 : i1 to i32
    %cond3A_29 = arith.constant 0 : i32
    %cond3A_30 = arith.cmpi ne, %convert_element_type3A_28, %cond3A_29 : i32
    scf.if %cond3A_30 {
      %mul3A_31 = arith.constant 6272 : i32
      %mul3A_32 = arith.muli %arg1, %mul3A_31 : i32
      %mul3A_33 = arith.constant 6272 : i32
      %mul3A_34 = arith.muli %arg1, %mul3A_33 : i32
      "tpu.region"() ({
        %run_scoped3A = tpu.sem_alloc : memref<!tpu.dma_semaphore, #tpu.memory_space<semaphore_mem>>
        %dma_start3A = tpu.memref_slice %arg5[%mul3A_34] : memref<100352xf32, #tpu.memory_space<hbm>> -> memref<6272xf32, #tpu.memory_space<hbm>>
        %dma_start3A_35 = tpu.memref_slice %arg6[%mul3A_32] : memref<100352xf32, #tpu.memory_space<vmem_shared>> -> memref<6272xf32, #tpu.memory_space<vmem_shared>>
        tpu.enqueue_dma source(%dma_start3A_35 : memref<6272xf32, #tpu.memory_space<vmem_shared>>) target(%dma_start3A : memref<6272xf32, #tpu.memory_space<hbm>>) target_semaphore(%run_scoped3A : memref<!tpu.dma_semaphore, #tpu.memory_space<semaphore_mem>>)
        %dma_wait3A = tpu.memref_slice %arg5[%mul3A_34] : memref<100352xf32, #tpu.memory_space<hbm>> -> memref<6272xf32, #tpu.memory_space<hbm>>
        %dma_wait3A_36 = tpu.memref_slice %arg6[%mul3A_32] : memref<100352xf32, #tpu.memory_space<vmem_shared>> -> memref<6272xf32, #tpu.memory_space<vmem_shared>>
        tpu.wait_dma2 semaphore(%run_scoped3A : memref<!tpu.dma_semaphore, #tpu.memory_space<semaphore_mem>>) src(%dma_wait3A_36 : memref<6272xf32, #tpu.memory_space<vmem_shared>>) dst(%dma_wait3A : memref<6272xf32, #tpu.memory_space<hbm>>)
        tpu.yield
      }) : () -> ()
    } else {
    }
    return
  }
}

#map = affine_map<(d0, d1) -> (0, 0)>
#map1 = affine_map<(d0, d1) -> (0, 0, 0)>
module attributes {stable_mosaic.version = 14 : i64} {
  func.func @_agg_body(%arg0: i32, %arg1: i32, %arg2: memref<1x1600000xi32, #tpu.memory_space<hbm>>, %arg3: memref<1x1600000xi32, #tpu.memory_space<hbm>>, %arg4: memref<802816x16xf32, #tpu.memory_space<hbm>>, %arg5: memref<6272x16xf32, #tpu.memory_space<hbm>>, %arg6: memref<2x100352x128xf32, #tpu.memory_space<hbm>>, %arg7: memref<100352x16xf32, #tpu.memory_space<vmem_shared>>, %arg8: memref<1280x16xf32, #tpu.memory_space<vmem>>) attributes {dimension_semantics = [#tpu.dimension_semantics<core_parallel>, #tpu.dimension_semantics<subcore_parallel>], iteration_bounds = array<i64: 2, 16>, scalar_prefetch = 0 : i64, scratch_operands = 2 : i64, tpu.core_type = #tpu.core_type<sc_vector_subcore>, window_params = [{transform_indices = #map}, {transform_indices = #map}, {transform_indices = #map}, {transform_indices = #map}, {transform_indices = #map1}]} {
    %mul3A = arith.constant 6272 : i32
    %mul3A_0 = arith.muli %arg1, %mul3A : i32
    "tpu.region"() ({
      %run_scoped3A = tpu.sem_alloc : memref<!tpu.dma_semaphore, #tpu.memory_space<semaphore_mem>>
      %dma_start3A = arith.constant 0 : i32
      %dma_start3A_24 = tpu.memref_slice %arg7[%mul3A_0, %dma_start3A] : memref<100352x16xf32, #tpu.memory_space<vmem_shared>> -> memref<6272x16xf32, #tpu.memory_space<vmem_shared>>
      tpu.enqueue_dma source(%arg5 : memref<6272x16xf32, #tpu.memory_space<hbm>>) target(%dma_start3A_24 : memref<6272x16xf32, #tpu.memory_space<vmem_shared>>) target_semaphore(%run_scoped3A : memref<!tpu.dma_semaphore, #tpu.memory_space<semaphore_mem>>)
      %dma_wait3A = arith.constant 0 : i32
      %dma_wait3A_25 = tpu.memref_slice %arg7[%mul3A_0, %dma_wait3A] : memref<100352x16xf32, #tpu.memory_space<vmem_shared>> -> memref<6272x16xf32, #tpu.memory_space<vmem_shared>>
      tpu.wait_dma2 semaphore(%run_scoped3A : memref<!tpu.dma_semaphore, #tpu.memory_space<semaphore_mem>>) src(%arg5 : memref<6272x16xf32, #tpu.memory_space<hbm>>) dst(%dma_wait3A_25 : memref<6272x16xf32, #tpu.memory_space<vmem_shared>>)
      tpu.yield
    }) : () -> ()
    %barrier3A = arith.constant 0 : index
    tpu.barrier barrier_id(%barrier3A)
    %mul3A_1 = arith.constant 1 : i32
    %mul3A_2 = arith.muli %arg1, %mul3A_1 : i32
    %add3A = arith.constant 0 : i32
    %add3A_3 = arith.addi %add3A, %mul3A_2 : i32
    %mul3A_4 = arith.constant 16 : i32
    %mul3A_5 = arith.muli %arg0, %mul3A_4 : i32
    %add3A_6 = arith.addi %add3A_3, %mul3A_5 : i32
    %lt3A = arith.constant 2 : i32
    %lt3A_7 = arith.cmpi slt, %add3A_6, %lt3A : i32
    %jit3A = arith.constant 40 : i32
    %jit3A_8 = arith.constant 39 : i32
    %select_n3A = arith.select %lt3A_7, %jit3A, %jit3A_8 : i32
    %lt3A_9 = arith.constant 2 : i32
    %lt3A_10 = arith.cmpi slt, %add3A_6, %lt3A_9 : i32
    %mul3A_11 = arith.muli %add3A_6, %select_n3A : i32
    %mul3A_12 = arith.constant 39 : i32
    %mul3A_13 = arith.muli %add3A_6, %mul3A_12 : i32
    %add3A_14 = arith.constant 2 : i32
    %add3A_15 = arith.addi %mul3A_13, %add3A_14 : i32
    %select_n3A_16 = arith.select %lt3A_10, %mul3A_11, %add3A_15 : i32
    %mul3A_17 = arith.constant 1 : i32
    %mul3A_18 = arith.muli %mul3A_17, %select_n3A : i32
    "tpu.region"() ({
      %run_scoped3A = memref.alloca() : memref<2x1x1280xi32, #tpu.memory_space<vmem>>
      %run_scoped3A_24 = tpu.sem_alloc : memref<2x!tpu.dma_semaphore, #tpu.memory_space<semaphore_mem>>
      %run_scoped3A_25 = memref.alloca() : memref<2x1x1280xi32, #tpu.memory_space<vmem>>
      %run_scoped3A_26 = tpu.sem_alloc : memref<2x!tpu.dma_semaphore, #tpu.memory_space<semaphore_mem>>
      %gt3A = arith.constant 0 : i32
      %gt3A_27 = arith.cmpi sgt, %mul3A_18, %gt3A : i32
      %convert_element_type3A = arith.extui %gt3A_27 : i1 to i32
      %cond3A = arith.constant 0 : i32
      %cond3A_28 = arith.cmpi ne, %convert_element_type3A, %cond3A : i32
      scf.if %cond3A_28 {
        %mul3A_29 = arith.constant 1 : i32
        %mul3A_30 = arith.muli %mul3A_29, %select_n3A : i32
        %sub3A = arith.constant 1 : i32
        %sub3A_31 = arith.subi %mul3A_30, %sub3A : i32
        %eq3A = arith.constant 0 : i32
        %eq3A_32 = arith.cmpi eq, %sub3A_31, %eq3A : i32
        %add3A_33 = arith.constant 0 : i32
        %add3A_34 = arith.addi %add3A_33, %select_n3A_16 : i32
        %select_n3A_35 = arith.constant true
        %select_n3A_36 = arith.constant 0 : i32
        %select_n3A_37 = arith.constant -1 : i32
        %select_n3A_38 = arith.select %select_n3A_35, %select_n3A_37, %select_n3A_36 : i32
        %eq3A_39 = arith.constant -1 : i32
        %eq3A_40 = arith.cmpi eq, %select_n3A_38, %eq3A_39 : i32
        %sub3A_41 = arith.constant 1 : i32
        %sub3A_42 = arith.subi %select_n3A, %sub3A_41 : i32
        %select_n3A_43 = arith.select %eq3A_40, %sub3A_42, %select_n3A_38 : i32
        %add3A_44 = arith.addi %select_n3A_43, %select_n3A_16 : i32
        %select_n3A_45 = arith.constant true
        %select_n3A_46 = arith.constant 0 : i32
        %select_n3A_47 = arith.constant 1 : i32
        %select_n3A_48 = arith.select %select_n3A_45, %select_n3A_47, %select_n3A_46 : i32
        %eq3A_49 = arith.cmpi eq, %select_n3A_48, %select_n3A : i32
        %select_n3A_50 = arith.constant 0 : i32
        %select_n3A_51 = arith.select %eq3A_49, %select_n3A_50, %select_n3A_48 : i32
        %add3A_52 = arith.addi %select_n3A_51, %select_n3A_16 : i32
        %add3A_53 = arith.constant 1 : i32
        %add3A_54 = arith.addi %select_n3A_51, %add3A_53 : i32
        %select_n3A_55 = arith.constant true
        %select_n3A_56 = arith.select %select_n3A_55, %add3A_54, %select_n3A_51 : i32
        %eq3A_57 = arith.cmpi eq, %select_n3A_56, %select_n3A : i32
        %select_n3A_58 = arith.constant 0 : i32
        %select_n3A_59 = arith.select %eq3A_57, %select_n3A_58, %select_n3A_56 : i32
        %add3A_60 = arith.addi %select_n3A_59, %select_n3A_16 : i32
        "tpu.trace_start"() <{level = 10 : i32, message = "ep_initialize_0"}> : () -> ()
        %rem3A = arith.constant 0 : i32
        %rem3A_61 = arith.constant 2 : i32
        %rem3A_62 = arith.remui %rem3A, %rem3A_61 : i32
        %mul3A_63 = arith.constant 1280 : i32
        %mul3A_64 = arith.muli %mul3A_63, %add3A_34 : i32
        %dma_start3A = arith.constant 0 : i32
        %dma_start3A_65 = arith.constant 0 : i32
        %dma_start3A_66 = tpu.memref_slice %run_scoped3A[%rem3A_62, %dma_start3A, %dma_start3A_65] : memref<2x1x1280xi32, #tpu.memory_space<vmem>> -> memref<1x1x1280xi32, #tpu.memory_space<vmem>>
        %dma_start3A_67 = tpu.memref_squeeze %dma_start3A_66 : memref<1x1x1280xi32, #tpu.memory_space<vmem>> -> memref<1x1280xi32, #tpu.memory_space<vmem>>
        %dma_start3A_68 = arith.constant 0 : i32
        %dma_start3A_69 = tpu.memref_slice %arg2[%dma_start3A_68, %mul3A_64] : memref<1x1600000xi32, #tpu.memory_space<hbm>> -> memref<1x1280xi32, #tpu.memory_space<hbm>>
        %dma_start3A_70 = tpu.memref_slice %run_scoped3A_24[%rem3A_62] : memref<2x!tpu.dma_semaphore, #tpu.memory_space<semaphore_mem>> -> memref<1x!tpu.dma_semaphore, #tpu.memory_space<semaphore_mem>>
        %dma_start3A_71 = tpu.memref_squeeze %dma_start3A_70 : memref<1x!tpu.dma_semaphore, #tpu.memory_space<semaphore_mem>> -> memref<!tpu.dma_semaphore, #tpu.memory_space<semaphore_mem>>
        %dma_start3A_72 = arith.constant 0 : i32
        %dma_start3A_73 = arith.constant 0 : i32
        %dma_start3A_74 = tpu.memref_slice %run_scoped3A[%rem3A_62, %dma_start3A_72, %dma_start3A_73] : memref<2x1x1280xi32, #tpu.memory_space<vmem>> -> memref<1x1x1280xi32, #tpu.memory_space<vmem>>
        %dma_start3A_75 = tpu.memref_squeeze %dma_start3A_74 : memref<1x1x1280xi32, #tpu.memory_space<vmem>> -> memref<1x1280xi32, #tpu.memory_space<vmem>>
        %dma_start3A_76 = arith.constant 0 : i32
        %dma_start3A_77 = tpu.memref_slice %arg2[%dma_start3A_76, %mul3A_64] : memref<1x1600000xi32, #tpu.memory_space<hbm>> -> memref<1x1280xi32, #tpu.memory_space<hbm>>
        tpu.enqueue_dma source(%dma_start3A_77 : memref<1x1280xi32, #tpu.memory_space<hbm>>) target(%dma_start3A_75 : memref<1x1280xi32, #tpu.memory_space<vmem>>) target_semaphore(%dma_start3A_71 : memref<!tpu.dma_semaphore, #tpu.memory_space<semaphore_mem>>)
        %add3A_78 = arith.constant 0 : i32
        %add3A_79 = arith.constant 1 : i32
        %add3A_80 = arith.addi %add3A_78, %add3A_79 : i32
        %select_n3A_81 = arith.constant true
        %select_n3A_82 = arith.constant 0 : i32
        %select_n3A_83 = arith.select %select_n3A_81, %add3A_80, %select_n3A_82 : i32
        %rem3A_84 = arith.constant 0 : i32
        %rem3A_85 = arith.constant 2 : i32
        %rem3A_86 = arith.remui %rem3A_84, %rem3A_85 : i32
        %mul3A_87 = arith.constant 1280 : i32
        %mul3A_88 = arith.muli %mul3A_87, %add3A_34 : i32
        %dma_start3A_89 = arith.constant 0 : i32
        %dma_start3A_90 = arith.constant 0 : i32
        %dma_start3A_91 = tpu.memref_slice %run_scoped3A_25[%rem3A_86, %dma_start3A_89, %dma_start3A_90] : memref<2x1x1280xi32, #tpu.memory_space<vmem>> -> memref<1x1x1280xi32, #tpu.memory_space<vmem>>
        %dma_start3A_92 = tpu.memref_squeeze %dma_start3A_91 : memref<1x1x1280xi32, #tpu.memory_space<vmem>> -> memref<1x1280xi32, #tpu.memory_space<vmem>>
        %dma_start3A_93 = arith.constant 0 : i32
        %dma_start3A_94 = tpu.memref_slice %arg3[%dma_start3A_93, %mul3A_88] : memref<1x1600000xi32, #tpu.memory_space<hbm>> -> memref<1x1280xi32, #tpu.memory_space<hbm>>
        %dma_start3A_95 = tpu.memref_slice %run_scoped3A_26[%rem3A_86] : memref<2x!tpu.dma_semaphore, #tpu.memory_space<semaphore_mem>> -> memref<1x!tpu.dma_semaphore, #tpu.memory_space<semaphore_mem>>
        %dma_start3A_96 = tpu.memref_squeeze %dma_start3A_95 : memref<1x!tpu.dma_semaphore, #tpu.memory_space<semaphore_mem>> -> memref<!tpu.dma_semaphore, #tpu.memory_space<semaphore_mem>>
        %dma_start3A_97 = arith.constant 0 : i32
        %dma_start3A_98 = arith.constant 0 : i32
        %dma_start3A_99 = tpu.memref_slice %run_scoped3A_25[%rem3A_86, %dma_start3A_97, %dma_start3A_98] : memref<2x1x1280xi32, #tpu.memory_space<vmem>> -> memref<1x1x1280xi32, #tpu.memory_space<vmem>>
        %dma_start3A_100 = tpu.memref_squeeze %dma_start3A_99 : memref<1x1x1280xi32, #tpu.memory_space<vmem>> -> memref<1x1280xi32, #tpu.memory_space<vmem>>
        %dma_start3A_101 = arith.constant 0 : i32
        %dma_start3A_102 = tpu.memref_slice %arg3[%dma_start3A_101, %mul3A_88] : memref<1x1600000xi32, #tpu.memory_space<hbm>> -> memref<1x1280xi32, #tpu.memory_space<hbm>>
        tpu.enqueue_dma source(%dma_start3A_102 : memref<1x1280xi32, #tpu.memory_space<hbm>>) target(%dma_start3A_100 : memref<1x1280xi32, #tpu.memory_space<vmem>>) target_semaphore(%dma_start3A_96 : memref<!tpu.dma_semaphore, #tpu.memory_space<semaphore_mem>>)
        %add3A_103 = arith.constant 0 : i32
        %add3A_104 = arith.constant 1 : i32
        %add3A_105 = arith.addi %add3A_103, %add3A_104 : i32
        %select_n3A_106 = arith.constant true
        %select_n3A_107 = arith.constant 0 : i32
        %select_n3A_108 = arith.select %select_n3A_106, %add3A_105, %select_n3A_107 : i32
        %while3A = arith.constant 0 : i32
        %while3A_109 = arith.constant 0 : i32
        %while3A_110 = arith.constant 0 : i32
        %while3A_111 = arith.constant 0 : i32
        "tpu.trace_stop"() : () -> ()
        %while3A_112 = arith.subi %mul3A_18, %while3A : i32
        %while3A_113 = arith.addi %while3A, %while3A_112 : i32
        %while3A_114 = arith.constant 1 : i32
        %while3A_115 = arith.divsi %while3A_112, %while3A_114 : i32
        %while3A_116 = arith.muli %while3A_115, %while3A_114 : i32
        %while3A_117 = arith.addi %while3A, %while3A_116 : i32
        %while3A_118 = arith.constant 1 : i32
        %while3A_119:5 = scf.for %while3A_173 = %while3A to %while3A_117 step %while3A_118 iter_args(%while3A_174 = %select_n3A_83, %while3A_175 = %while3A_109, %while3A_176 = %select_n3A_108, %while3A_177 = %while3A_110, %while3A_178 = %while3A_111) -> (i32, i32, i32, i32, i32)  : i32 {
          %mul3A_179 = arith.constant 1 : i32
          %mul3A_180 = arith.muli %mul3A_179, %select_n3A : i32
          %eq3A_181 = arith.constant 0 : i32
          %eq3A_182 = arith.cmpi eq, %while3A_173, %eq3A_181 : i32
          %sub3A_183 = arith.constant 1 : i32
          %sub3A_184 = arith.subi %mul3A_180, %sub3A_183 : i32
          %eq3A_185 = arith.cmpi eq, %while3A_173, %sub3A_184 : i32
          %add3A_186 = arith.addi %while3A_178, %select_n3A_16 : i32
          %sub3A_187 = arith.constant 1 : i32
          %sub3A_188 = arith.subi %while3A_178, %sub3A_187 : i32
          %select_n3A_189 = arith.constant true
          %select_n3A_190 = arith.select %select_n3A_189, %sub3A_188, %while3A_178 : i32
          %eq3A_191 = arith.constant -1 : i32
          %eq3A_192 = arith.cmpi eq, %select_n3A_190, %eq3A_191 : i32
          %sub3A_193 = arith.constant 1 : i32
          %sub3A_194 = arith.subi %select_n3A, %sub3A_193 : i32
          %select_n3A_195 = arith.select %eq3A_192, %sub3A_194, %select_n3A_190 : i32
          %add3A_196 = arith.addi %select_n3A_195, %select_n3A_16 : i32
          %add3A_197 = arith.constant 1 : i32
          %add3A_198 = arith.addi %while3A_178, %add3A_197 : i32
          %select_n3A_199 = arith.constant true
          %select_n3A_200 = arith.select %select_n3A_199, %add3A_198, %while3A_178 : i32
          %eq3A_201 = arith.cmpi eq, %select_n3A_200, %select_n3A : i32
          %select_n3A_202 = arith.constant 0 : i32
          %select_n3A_203 = arith.select %eq3A_201, %select_n3A_202, %select_n3A_200 : i32
          %add3A_204 = arith.addi %select_n3A_203, %select_n3A_16 : i32
          %add3A_205 = arith.constant 1 : i32
          %add3A_206 = arith.addi %select_n3A_203, %add3A_205 : i32
          %select_n3A_207 = arith.constant true
          %select_n3A_208 = arith.select %select_n3A_207, %add3A_206, %select_n3A_203 : i32
          %eq3A_209 = arith.cmpi eq, %select_n3A_208, %select_n3A : i32
          %select_n3A_210 = arith.constant 0 : i32
          %select_n3A_211 = arith.select %eq3A_209, %select_n3A_210, %select_n3A_208 : i32
          %add3A_212 = arith.addi %select_n3A_211, %select_n3A_16 : i32
          %ne3A = arith.cmpi ne, %add3A_186, %add3A_204 : i32
          %or3A = arith.constant false
          %or3A_213 = arith.ori %or3A, %ne3A : i1
          %sub3A_214 = arith.constant 2 : i32
          %sub3A_215 = arith.subi %mul3A_180, %sub3A_214 : i32
          %add3A_216 = arith.constant 1 : i32
          %add3A_217 = arith.addi %sub3A_215, %add3A_216 : i32
          %ge3A = arith.cmpi sge, %while3A_173, %add3A_217 : i32
          %not3A = arith.constant true
          %not3A_218 = arith.xori %ge3A, %not3A : i1
          %and3A = arith.andi %or3A_213, %not3A_218 : i1
          %convert_element_type3A_219 = arith.extui %and3A : i1 to i32
          %cond3A_220 = arith.constant 0 : i32
          %cond3A_221 = arith.cmpi ne, %convert_element_type3A_219, %cond3A_220 : i32
          scf.if %cond3A_221 {
            "tpu.trace_start"() <{level = 10 : i32, message = "ep_copy_in"}> : () -> ()
            %rem3A_327 = arith.constant 2 : i32
            %rem3A_328 = arith.remui %while3A_174, %rem3A_327 : i32
            %mul3A_329 = arith.constant 1280 : i32
            %mul3A_330 = arith.muli %mul3A_329, %add3A_204 : i32
            %dma_start3A_331 = arith.constant 0 : i32
            %dma_start3A_332 = arith.constant 0 : i32
            %dma_start3A_333 = tpu.memref_slice %run_scoped3A[%rem3A_328, %dma_start3A_331, %dma_start3A_332] : memref<2x1x1280xi32, #tpu.memory_space<vmem>> -> memref<1x1x1280xi32, #tpu.memory_space<vmem>>
            %dma_start3A_334 = tpu.memref_squeeze %dma_start3A_333 : memref<1x1x1280xi32, #tpu.memory_space<vmem>> -> memref<1x1280xi32, #tpu.memory_space<vmem>>
            %dma_start3A_335 = arith.constant 0 : i32
            %dma_start3A_336 = tpu.memref_slice %arg2[%dma_start3A_335, %mul3A_330] : memref<1x1600000xi32, #tpu.memory_space<hbm>> -> memref<1x1280xi32, #tpu.memory_space<hbm>>
            %dma_start3A_337 = tpu.memref_slice %run_scoped3A_24[%rem3A_328] : memref<2x!tpu.dma_semaphore, #tpu.memory_space<semaphore_mem>> -> memref<1x!tpu.dma_semaphore, #tpu.memory_space<semaphore_mem>>
            %dma_start3A_338 = tpu.memref_squeeze %dma_start3A_337 : memref<1x!tpu.dma_semaphore, #tpu.memory_space<semaphore_mem>> -> memref<!tpu.dma_semaphore, #tpu.memory_space<semaphore_mem>>
            %dma_start3A_339 = arith.constant 0 : i32
            %dma_start3A_340 = arith.constant 0 : i32
            %dma_start3A_341 = tpu.memref_slice %run_scoped3A[%rem3A_328, %dma_start3A_339, %dma_start3A_340] : memref<2x1x1280xi32, #tpu.memory_space<vmem>> -> memref<1x1x1280xi32, #tpu.memory_space<vmem>>
            %dma_start3A_342 = tpu.memref_squeeze %dma_start3A_341 : memref<1x1x1280xi32, #tpu.memory_space<vmem>> -> memref<1x1280xi32, #tpu.memory_space<vmem>>
            %dma_start3A_343 = arith.constant 0 : i32
            %dma_start3A_344 = tpu.memref_slice %arg2[%dma_start3A_343, %mul3A_330] : memref<1x1600000xi32, #tpu.memory_space<hbm>> -> memref<1x1280xi32, #tpu.memory_space<hbm>>
            tpu.enqueue_dma source(%dma_start3A_344 : memref<1x1280xi32, #tpu.memory_space<hbm>>) target(%dma_start3A_342 : memref<1x1280xi32, #tpu.memory_space<vmem>>) target_semaphore(%dma_start3A_338 : memref<!tpu.dma_semaphore, #tpu.memory_space<semaphore_mem>>)
            "tpu.trace_stop"() : () -> ()
          } else {
          }
          %and3A_222 = arith.constant true
          %and3A_223 = arith.andi %and3A, %and3A_222 : i1
          %add3A_224 = arith.constant 1 : i32
          %add3A_225 = arith.addi %while3A_174, %add3A_224 : i32
          %select_n3A_226 = arith.select %and3A_223, %add3A_225, %while3A_174 : i32
          %ne3A_227 = arith.cmpi ne, %add3A_186, %add3A_204 : i32
          %or3A_228 = arith.constant false
          %or3A_229 = arith.ori %or3A_228, %ne3A_227 : i1
          %sub3A_230 = arith.constant 2 : i32
          %sub3A_231 = arith.subi %mul3A_180, %sub3A_230 : i32
          %add3A_232 = arith.constant 1 : i32
          %add3A_233 = arith.addi %sub3A_231, %add3A_232 : i32
          %ge3A_234 = arith.cmpi sge, %while3A_173, %add3A_233 : i32
          %not3A_235 = arith.constant true
          %not3A_236 = arith.xori %ge3A_234, %not3A_235 : i1
          %and3A_237 = arith.andi %or3A_229, %not3A_236 : i1
          %convert_element_type3A_238 = arith.extui %and3A_237 : i1 to i32
          %cond3A_239 = arith.constant 0 : i32
          %cond3A_240 = arith.cmpi ne, %convert_element_type3A_238, %cond3A_239 : i32
          scf.if %cond3A_240 {
            "tpu.trace_start"() <{level = 10 : i32, message = "ep_copy_in"}> : () -> ()
            %rem3A_327 = arith.constant 2 : i32
            %rem3A_328 = arith.remui %while3A_176, %rem3A_327 : i32
            %mul3A_329 = arith.constant 1280 : i32
            %mul3A_330 = arith.muli %mul3A_329, %add3A_204 : i32
            %dma_start3A_331 = arith.constant 0 : i32
            %dma_start3A_332 = arith.constant 0 : i32
            %dma_start3A_333 = tpu.memref_slice %run_scoped3A_25[%rem3A_328, %dma_start3A_331, %dma_start3A_332] : memref<2x1x1280xi32, #tpu.memory_space<vmem>> -> memref<1x1x1280xi32, #tpu.memory_space<vmem>>
            %dma_start3A_334 = tpu.memref_squeeze %dma_start3A_333 : memref<1x1x1280xi32, #tpu.memory_space<vmem>> -> memref<1x1280xi32, #tpu.memory_space<vmem>>
            %dma_start3A_335 = arith.constant 0 : i32
            %dma_start3A_336 = tpu.memref_slice %arg3[%dma_start3A_335, %mul3A_330] : memref<1x1600000xi32, #tpu.memory_space<hbm>> -> memref<1x1280xi32, #tpu.memory_space<hbm>>
            %dma_start3A_337 = tpu.memref_slice %run_scoped3A_26[%rem3A_328] : memref<2x!tpu.dma_semaphore, #tpu.memory_space<semaphore_mem>> -> memref<1x!tpu.dma_semaphore, #tpu.memory_space<semaphore_mem>>
            %dma_start3A_338 = tpu.memref_squeeze %dma_start3A_337 : memref<1x!tpu.dma_semaphore, #tpu.memory_space<semaphore_mem>> -> memref<!tpu.dma_semaphore, #tpu.memory_space<semaphore_mem>>
            %dma_start3A_339 = arith.constant 0 : i32
            %dma_start3A_340 = arith.constant 0 : i32
            %dma_start3A_341 = tpu.memref_slice %run_scoped3A_25[%rem3A_328, %dma_start3A_339, %dma_start3A_340] : memref<2x1x1280xi32, #tpu.memory_space<vmem>> -> memref<1x1x1280xi32, #tpu.memory_space<vmem>>
            %dma_start3A_342 = tpu.memref_squeeze %dma_start3A_341 : memref<1x1x1280xi32, #tpu.memory_space<vmem>> -> memref<1x1280xi32, #tpu.memory_space<vmem>>
            %dma_start3A_343 = arith.constant 0 : i32
            %dma_start3A_344 = tpu.memref_slice %arg3[%dma_start3A_343, %mul3A_330] : memref<1x1600000xi32, #tpu.memory_space<hbm>> -> memref<1x1280xi32, #tpu.memory_space<hbm>>
            tpu.enqueue_dma source(%dma_start3A_344 : memref<1x1280xi32, #tpu.memory_space<hbm>>) target(%dma_start3A_342 : memref<1x1280xi32, #tpu.memory_space<vmem>>) target_semaphore(%dma_start3A_338 : memref<!tpu.dma_semaphore, #tpu.memory_space<semaphore_mem>>)
            "tpu.trace_stop"() : () -> ()
          } else {
          }
          %and3A_241 = arith.constant true
          %and3A_242 = arith.andi %and3A_237, %and3A_241 : i1
          %add3A_243 = arith.constant 1 : i32
          %add3A_244 = arith.addi %while3A_176, %add3A_243 : i32
          %select_n3A_245 = arith.select %and3A_242, %add3A_244, %while3A_176 : i32
          %ne3A_246 = arith.cmpi ne, %add3A_186, %add3A_196 : i32
          %or3A_247 = arith.constant false
          %or3A_248 = arith.ori %or3A_247, %ne3A_246 : i1
          %or3A_249 = arith.ori %or3A_248, %eq3A_182 : i1
          %convert_element_type3A_250 = arith.extui %or3A_249 : i1 to i32
          %cond3A_251 = arith.constant 0 : i32
          %cond3A_252 = arith.cmpi ne, %convert_element_type3A_250, %cond3A_251 : i32
          scf.if %cond3A_252 {
            "tpu.trace_start"() <{level = 10 : i32, message = "ep_wait_in"}> : () -> ()
            %mul3A_327 = arith.constant 1280 : i32
            %mul3A_328 = arith.muli %mul3A_327, %add3A_186 : i32
            %rem3A_329 = arith.constant 2 : i32
            %rem3A_330 = arith.remui %while3A_175, %rem3A_329 : i32
            %dma_wait3A = arith.constant 0 : i32
            %dma_wait3A_331 = arith.constant 0 : i32
            %dma_wait3A_332 = tpu.memref_slice %run_scoped3A[%rem3A_330, %dma_wait3A, %dma_wait3A_331] : memref<2x1x1280xi32, #tpu.memory_space<vmem>> -> memref<1x1x1280xi32, #tpu.memory_space<vmem>>
            %dma_wait3A_333 = tpu.memref_squeeze %dma_wait3A_332 : memref<1x1x1280xi32, #tpu.memory_space<vmem>> -> memref<1x1280xi32, #tpu.memory_space<vmem>>
            %dma_wait3A_334 = arith.constant 0 : i32
            %dma_wait3A_335 = tpu.memref_slice %arg2[%dma_wait3A_334, %mul3A_328] : memref<1x1600000xi32, #tpu.memory_space<hbm>> -> memref<1x1280xi32, #tpu.memory_space<hbm>>
            %dma_wait3A_336 = tpu.memref_slice %run_scoped3A_24[%rem3A_330] : memref<2x!tpu.dma_semaphore, #tpu.memory_space<semaphore_mem>> -> memref<1x!tpu.dma_semaphore, #tpu.memory_space<semaphore_mem>>
            %dma_wait3A_337 = tpu.memref_squeeze %dma_wait3A_336 : memref<1x!tpu.dma_semaphore, #tpu.memory_space<semaphore_mem>> -> memref<!tpu.dma_semaphore, #tpu.memory_space<semaphore_mem>>
            %dma_wait3A_338 = arith.constant 0 : i32
            %dma_wait3A_339 = arith.constant 0 : i32
            %dma_wait3A_340 = tpu.memref_slice %run_scoped3A[%rem3A_330, %dma_wait3A_338, %dma_wait3A_339] : memref<2x1x1280xi32, #tpu.memory_space<vmem>> -> memref<1x1x1280xi32, #tpu.memory_space<vmem>>
            %dma_wait3A_341 = tpu.memref_squeeze %dma_wait3A_340 : memref<1x1x1280xi32, #tpu.memory_space<vmem>> -> memref<1x1280xi32, #tpu.memory_space<vmem>>
            %dma_wait3A_342 = arith.constant 0 : i32
            %dma_wait3A_343 = tpu.memref_slice %arg2[%dma_wait3A_342, %mul3A_328] : memref<1x1600000xi32, #tpu.memory_space<hbm>> -> memref<1x1280xi32, #tpu.memory_space<hbm>>
            tpu.wait_dma2 semaphore(%dma_wait3A_337 : memref<!tpu.dma_semaphore, #tpu.memory_space<semaphore_mem>>) src(%dma_wait3A_343 : memref<1x1280xi32, #tpu.memory_space<hbm>>) dst(%dma_wait3A_341 : memref<1x1280xi32, #tpu.memory_space<vmem>>)
            "tpu.trace_stop"() : () -> ()
          } else {
          }
          %ne3A_253 = arith.cmpi ne, %add3A_186, %add3A_196 : i32
          %or3A_254 = arith.constant false
          %or3A_255 = arith.ori %or3A_254, %ne3A_253 : i1
          %or3A_256 = arith.ori %or3A_255, %eq3A_182 : i1
          %convert_element_type3A_257 = arith.extui %or3A_256 : i1 to i32
          %cond3A_258 = arith.constant 0 : i32
          %cond3A_259 = arith.cmpi ne, %convert_element_type3A_257, %cond3A_258 : i32
          scf.if %cond3A_259 {
            "tpu.trace_start"() <{level = 10 : i32, message = "ep_wait_in"}> : () -> ()
            %mul3A_327 = arith.constant 1280 : i32
            %mul3A_328 = arith.muli %mul3A_327, %add3A_186 : i32
            %rem3A_329 = arith.constant 2 : i32
            %rem3A_330 = arith.remui %while3A_177, %rem3A_329 : i32
            %dma_wait3A = arith.constant 0 : i32
            %dma_wait3A_331 = arith.constant 0 : i32
            %dma_wait3A_332 = tpu.memref_slice %run_scoped3A_25[%rem3A_330, %dma_wait3A, %dma_wait3A_331] : memref<2x1x1280xi32, #tpu.memory_space<vmem>> -> memref<1x1x1280xi32, #tpu.memory_space<vmem>>
            %dma_wait3A_333 = tpu.memref_squeeze %dma_wait3A_332 : memref<1x1x1280xi32, #tpu.memory_space<vmem>> -> memref<1x1280xi32, #tpu.memory_space<vmem>>
            %dma_wait3A_334 = arith.constant 0 : i32
            %dma_wait3A_335 = tpu.memref_slice %arg3[%dma_wait3A_334, %mul3A_328] : memref<1x1600000xi32, #tpu.memory_space<hbm>> -> memref<1x1280xi32, #tpu.memory_space<hbm>>
            %dma_wait3A_336 = tpu.memref_slice %run_scoped3A_26[%rem3A_330] : memref<2x!tpu.dma_semaphore, #tpu.memory_space<semaphore_mem>> -> memref<1x!tpu.dma_semaphore, #tpu.memory_space<semaphore_mem>>
            %dma_wait3A_337 = tpu.memref_squeeze %dma_wait3A_336 : memref<1x!tpu.dma_semaphore, #tpu.memory_space<semaphore_mem>> -> memref<!tpu.dma_semaphore, #tpu.memory_space<semaphore_mem>>
            %dma_wait3A_338 = arith.constant 0 : i32
            %dma_wait3A_339 = arith.constant 0 : i32
            %dma_wait3A_340 = tpu.memref_slice %run_scoped3A_25[%rem3A_330, %dma_wait3A_338, %dma_wait3A_339] : memref<2x1x1280xi32, #tpu.memory_space<vmem>> -> memref<1x1x1280xi32, #tpu.memory_space<vmem>>
            %dma_wait3A_341 = tpu.memref_squeeze %dma_wait3A_340 : memref<1x1x1280xi32, #tpu.memory_space<vmem>> -> memref<1x1280xi32, #tpu.memory_space<vmem>>
            %dma_wait3A_342 = arith.constant 0 : i32
            %dma_wait3A_343 = tpu.memref_slice %arg3[%dma_wait3A_342, %mul3A_328] : memref<1x1600000xi32, #tpu.memory_space<hbm>> -> memref<1x1280xi32, #tpu.memory_space<hbm>>
            tpu.wait_dma2 semaphore(%dma_wait3A_337 : memref<!tpu.dma_semaphore, #tpu.memory_space<semaphore_mem>>) src(%dma_wait3A_343 : memref<1x1280xi32, #tpu.memory_space<hbm>>) dst(%dma_wait3A_341 : memref<1x1280xi32, #tpu.memory_space<vmem>>)
            "tpu.trace_stop"() : () -> ()
          } else {
          }
          %rem3A_260 = arith.constant 2 : i32
          %rem3A_261 = arith.remui %while3A_175, %rem3A_260 : i32
          %rem3A_262 = arith.constant 2 : i32
          %rem3A_263 = arith.remui %while3A_177, %rem3A_262 : i32
          %run_scoped3A_264 = arith.constant 0 : i32
          "tpu.trace_start"() <{level = 10 : i32, message = "ep_run_kernel"}> : () -> ()
          "tpu.region"() ({
            %run_scoped3A_327 = tpu.sem_alloc : memref<!tpu.dma_semaphore, #tpu.memory_space<semaphore_mem>>
            %dma_start3A_328 = arith.constant 0 : i32
            %dma_start3A_329 = arith.constant 0 : i32
            %dma_start3A_330 = tpu.memref_slice %run_scoped3A[%rem3A_261, %dma_start3A_328, %dma_start3A_329] : memref<2x1x1280xi32, #tpu.memory_space<vmem>> -> memref<1x1x1280xi32, #tpu.memory_space<vmem>>
            %dma_start3A_331 = tpu.memref_squeeze %dma_start3A_330 : memref<1x1x1280xi32, #tpu.memory_space<vmem>> -> memref<1x1280xi32, #tpu.memory_space<vmem>>
            %dma_start3A_332 = arith.constant 0 : i32
            %dma_start3A_333 = tpu.memref_slice %dma_start3A_331[%run_scoped3A_264, %dma_start3A_332] : memref<1x1280xi32, #tpu.memory_space<vmem>> -> memref<1x1280xi32, #tpu.memory_space<vmem>>
            %dma_start3A_334 = tpu.memref_squeeze %dma_start3A_333 : memref<1x1280xi32, #tpu.memory_space<vmem>> -> memref<1280xi32, #tpu.memory_space<vmem>>
            %dma_start3A_335 = arith.constant 0 : i32
            %dma_start3A_336 = arith.constant 0 : i32
            %dma_start3A_337 = tpu.memref_slice %arg4[%dma_start3A_335, %dma_start3A_336] : memref<802816x16xf32, #tpu.memory_space<hbm>> -> memref<802816x16xf32, #tpu.memory_space<hbm>>
            tpu.enqueue_indirect_dma source(%dma_start3A_337 : memref<802816x16xf32, #tpu.memory_space<hbm>>) target(%arg8 : memref<1280x16xf32, #tpu.memory_space<vmem>>) offsets(%dma_start3A_334 : memref<1280xi32, #tpu.memory_space<vmem>>) semaphore(%run_scoped3A_327 : memref<!tpu.dma_semaphore, #tpu.memory_space<semaphore_mem>>)
            %dma_wait3A = arith.constant 0 : i32
            %dma_wait3A_338 = arith.constant 0 : i32
            %dma_wait3A_339 = tpu.memref_slice %run_scoped3A[%rem3A_261, %dma_wait3A, %dma_wait3A_338] : memref<2x1x1280xi32, #tpu.memory_space<vmem>> -> memref<1x1x1280xi32, #tpu.memory_space<vmem>>
            %dma_wait3A_340 = tpu.memref_squeeze %dma_wait3A_339 : memref<1x1x1280xi32, #tpu.memory_space<vmem>> -> memref<1x1280xi32, #tpu.memory_space<vmem>>
            %dma_wait3A_341 = arith.constant 0 : i32
            %dma_wait3A_342 = tpu.memref_slice %dma_wait3A_340[%run_scoped3A_264, %dma_wait3A_341] : memref<1x1280xi32, #tpu.memory_space<vmem>> -> memref<1x1280xi32, #tpu.memory_space<vmem>>
            %dma_wait3A_343 = tpu.memref_squeeze %dma_wait3A_342 : memref<1x1280xi32, #tpu.memory_space<vmem>> -> memref<1280xi32, #tpu.memory_space<vmem>>
            %dma_wait3A_344 = arith.constant 0 : i32
            %dma_wait3A_345 = arith.constant 0 : i32
            %dma_wait3A_346 = tpu.memref_slice %arg4[%dma_wait3A_344, %dma_wait3A_345] : memref<802816x16xf32, #tpu.memory_space<hbm>> -> memref<802816x16xf32, #tpu.memory_space<hbm>>
            tpu.wait_indirect_dma semaphore(%run_scoped3A_327 : memref<!tpu.dma_semaphore, #tpu.memory_space<semaphore_mem>>) src(%dma_wait3A_346 : memref<802816x16xf32, #tpu.memory_space<hbm>>) dst(%arg8 : memref<1280x16xf32, #tpu.memory_space<vmem>>)
            tpu.yield
          }) : () -> ()
          %run_scoped3A_265 = arith.constant 0 : i32
          "tpu.region"() ({
            %run_scoped3A_327 = tpu.sem_alloc : memref<!tpu.dma_semaphore, #tpu.memory_space<semaphore_mem>>
            %dma_start3A_328 = arith.constant 0 : i32
            %dma_start3A_329 = arith.constant 0 : i32
            %dma_start3A_330 = tpu.memref_slice %run_scoped3A_25[%rem3A_263, %dma_start3A_328, %dma_start3A_329] : memref<2x1x1280xi32, #tpu.memory_space<vmem>> -> memref<1x1x1280xi32, #tpu.memory_space<vmem>>
            %dma_start3A_331 = tpu.memref_squeeze %dma_start3A_330 : memref<1x1x1280xi32, #tpu.memory_space<vmem>> -> memref<1x1280xi32, #tpu.memory_space<vmem>>
            %dma_start3A_332 = arith.constant 0 : i32
            %dma_start3A_333 = tpu.memref_slice %dma_start3A_331[%run_scoped3A_265, %dma_start3A_332] : memref<1x1280xi32, #tpu.memory_space<vmem>> -> memref<1x1280xi32, #tpu.memory_space<vmem>>
            %dma_start3A_334 = tpu.memref_squeeze %dma_start3A_333 : memref<1x1280xi32, #tpu.memory_space<vmem>> -> memref<1280xi32, #tpu.memory_space<vmem>>
            %dma_start3A_335 = arith.constant 0 : i32
            %dma_start3A_336 = arith.constant 0 : i32
            %dma_start3A_337 = tpu.memref_slice %arg7[%dma_start3A_335, %dma_start3A_336] : memref<100352x16xf32, #tpu.memory_space<vmem_shared>> -> memref<100352x16xf32, #tpu.memory_space<vmem_shared>>
            tpu.enqueue_indirect_dma source(%arg8 : memref<1280x16xf32, #tpu.memory_space<vmem>>) target(%dma_start3A_337 : memref<100352x16xf32, #tpu.memory_space<vmem_shared>>) offsets(%dma_start3A_334 : memref<1280xi32, #tpu.memory_space<vmem>>) semaphore(%run_scoped3A_327 : memref<!tpu.dma_semaphore, #tpu.memory_space<semaphore_mem>>) {add = true}
            %dma_wait3A = arith.constant 0 : i32
            %dma_wait3A_338 = arith.constant 0 : i32
            %dma_wait3A_339 = tpu.memref_slice %run_scoped3A_25[%rem3A_263, %dma_wait3A, %dma_wait3A_338] : memref<2x1x1280xi32, #tpu.memory_space<vmem>> -> memref<1x1x1280xi32, #tpu.memory_space<vmem>>
            %dma_wait3A_340 = tpu.memref_squeeze %dma_wait3A_339 : memref<1x1x1280xi32, #tpu.memory_space<vmem>> -> memref<1x1280xi32, #tpu.memory_space<vmem>>
            %dma_wait3A_341 = arith.constant 0 : i32
            %dma_wait3A_342 = tpu.memref_slice %dma_wait3A_340[%run_scoped3A_265, %dma_wait3A_341] : memref<1x1280xi32, #tpu.memory_space<vmem>> -> memref<1x1280xi32, #tpu.memory_space<vmem>>
            %dma_wait3A_343 = tpu.memref_squeeze %dma_wait3A_342 : memref<1x1280xi32, #tpu.memory_space<vmem>> -> memref<1280xi32, #tpu.memory_space<vmem>>
            %dma_wait3A_344 = arith.constant 0 : i32
            %dma_wait3A_345 = arith.constant 0 : i32
            %dma_wait3A_346 = tpu.memref_slice %arg7[%dma_wait3A_344, %dma_wait3A_345] : memref<100352x16xf32, #tpu.memory_space<vmem_shared>> -> memref<100352x16xf32, #tpu.memory_space<vmem_shared>>
            tpu.wait_indirect_dma semaphore(%run_scoped3A_327 : memref<!tpu.dma_semaphore, #tpu.memory_space<semaphore_mem>>) src(%arg8 : memref<1280x16xf32, #tpu.memory_space<vmem>>) dst(%dma_wait3A_346 : memref<100352x16xf32, #tpu.memory_space<vmem_shared>>)
            tpu.yield
          }) : () -> ()
          "tpu.trace_stop"() : () -> ()
          %ne3A_266 = arith.cmpi ne, %add3A_186, %add3A_204 : i32
          %or3A_267 = arith.constant false
          %or3A_268 = arith.ori %or3A_267, %ne3A_266 : i1
          %or3A_269 = arith.ori %or3A_268, %eq3A_185 : i1
          %convert_element_type3A_270 = arith.extui %or3A_269 : i1 to i32
          %cond3A_271 = arith.constant 0 : i32
          %cond3A_272 = arith.cmpi ne, %convert_element_type3A_270, %cond3A_271 : i32
          scf.if %cond3A_272 {
          } else {
          }
          %and3A_273 = arith.constant false
          %and3A_274 = arith.andi %or3A_269, %and3A_273 : i1
          %ne3A_275 = arith.cmpi ne, %add3A_186, %add3A_204 : i32
          %or3A_276 = arith.constant false
          %or3A_277 = arith.ori %or3A_276, %ne3A_275 : i1
          %or3A_278 = arith.ori %or3A_277, %eq3A_185 : i1
          %convert_element_type3A_279 = arith.extui %or3A_278 : i1 to i32
          %cond3A_280 = arith.constant 0 : i32
          %cond3A_281 = arith.cmpi ne, %convert_element_type3A_279, %cond3A_280 : i32
          scf.if %cond3A_281 {
          } else {
          }
          %and3A_282 = arith.constant false
          %and3A_283 = arith.andi %or3A_278, %and3A_282 : i1
          %ne3A_284 = arith.cmpi ne, %add3A_186, %add3A_196 : i32
          %or3A_285 = arith.constant false
          %or3A_286 = arith.ori %or3A_285, %ne3A_284 : i1
          %not3A_287 = arith.constant true
          %not3A_288 = arith.xori %eq3A_182, %not3A_287 : i1
          %and3A_289 = arith.andi %or3A_286, %not3A_288 : i1
          %convert_element_type3A_290 = arith.extui %and3A_289 : i1 to i32
          %cond3A_291 = arith.constant 0 : i32
          %cond3A_292 = arith.cmpi ne, %convert_element_type3A_290, %cond3A_291 : i32
          scf.if %cond3A_292 {
          } else {
          }
          %and3A_293 = arith.constant false
          %and3A_294 = arith.andi %and3A_289, %and3A_293 : i1
          %ne3A_295 = arith.cmpi ne, %add3A_186, %add3A_196 : i32
          %or3A_296 = arith.constant false
          %or3A_297 = arith.ori %or3A_296, %ne3A_295 : i1
          %not3A_298 = arith.constant true
          %not3A_299 = arith.xori %eq3A_182, %not3A_298 : i1
          %and3A_300 = arith.andi %or3A_297, %not3A_299 : i1
          %convert_element_type3A_301 = arith.extui %and3A_300 : i1 to i32
          %cond3A_302 = arith.constant 0 : i32
          %cond3A_303 = arith.cmpi ne, %convert_element_type3A_301, %cond3A_302 : i32
          scf.if %cond3A_303 {
          } else {
          }
          %and3A_304 = arith.constant false
          %and3A_305 = arith.andi %and3A_300, %and3A_304 : i1
          %ne3A_306 = arith.cmpi ne, %add3A_186, %add3A_204 : i32
          %or3A_307 = arith.constant false
          %or3A_308 = arith.ori %or3A_307, %ne3A_306 : i1
          %or3A_309 = arith.ori %or3A_308, %eq3A_185 : i1
          %add3A_310 = arith.constant 1 : i32
          %add3A_311 = arith.addi %while3A_175, %add3A_310 : i32
          %select_n3A_312 = arith.select %or3A_309, %add3A_311, %while3A_175 : i32
          %ne3A_313 = arith.cmpi ne, %add3A_186, %add3A_204 : i32
          %or3A_314 = arith.constant false
          %or3A_315 = arith.ori %or3A_314, %ne3A_313 : i1
          %or3A_316 = arith.ori %or3A_315, %eq3A_185 : i1
          %add3A_317 = arith.constant 1 : i32
          %add3A_318 = arith.addi %while3A_177, %add3A_317 : i32
          %select_n3A_319 = arith.select %or3A_316, %add3A_318, %while3A_177 : i32
          %add3A_320 = arith.constant 1 : i32
          %add3A_321 = arith.addi %while3A_178, %add3A_320 : i32
          %select_n3A_322 = arith.constant true
          %select_n3A_323 = arith.select %select_n3A_322, %add3A_321, %while3A_178 : i32
          %eq3A_324 = arith.cmpi eq, %select_n3A_323, %select_n3A : i32
          %select_n3A_325 = arith.constant 0 : i32
          %select_n3A_326 = arith.select %eq3A_324, %select_n3A_325, %select_n3A_323 : i32
          scf.yield %select_n3A_226, %select_n3A_312, %select_n3A_245, %select_n3A_319, %select_n3A_326 : i32, i32, i32, i32, i32
        }
        %while3A_120 = arith.constant 1 : i32
        %while3A_121:5 = scf.for %while3A_173 = %while3A_117 to %while3A_113 step %while3A_120 iter_args(%while3A_174 = %while3A_119#0, %while3A_175 = %while3A_119#1, %while3A_176 = %while3A_119#2, %while3A_177 = %while3A_119#3, %while3A_178 = %while3A_119#4) -> (i32, i32, i32, i32, i32)  : i32 {
          %mul3A_179 = arith.constant 1 : i32
          %mul3A_180 = arith.muli %mul3A_179, %select_n3A : i32
          %eq3A_181 = arith.constant 0 : i32
          %eq3A_182 = arith.cmpi eq, %while3A_173, %eq3A_181 : i32
          %sub3A_183 = arith.constant 1 : i32
          %sub3A_184 = arith.subi %mul3A_180, %sub3A_183 : i32
          %eq3A_185 = arith.cmpi eq, %while3A_173, %sub3A_184 : i32
          %add3A_186 = arith.addi %while3A_178, %select_n3A_16 : i32
          %sub3A_187 = arith.constant 1 : i32
          %sub3A_188 = arith.subi %while3A_178, %sub3A_187 : i32
          %select_n3A_189 = arith.constant true
          %select_n3A_190 = arith.select %select_n3A_189, %sub3A_188, %while3A_178 : i32
          %eq3A_191 = arith.constant -1 : i32
          %eq3A_192 = arith.cmpi eq, %select_n3A_190, %eq3A_191 : i32
          %sub3A_193 = arith.constant 1 : i32
          %sub3A_194 = arith.subi %select_n3A, %sub3A_193 : i32
          %select_n3A_195 = arith.select %eq3A_192, %sub3A_194, %select_n3A_190 : i32
          %add3A_196 = arith.addi %select_n3A_195, %select_n3A_16 : i32
          %add3A_197 = arith.constant 1 : i32
          %add3A_198 = arith.addi %while3A_178, %add3A_197 : i32
          %select_n3A_199 = arith.constant true
          %select_n3A_200 = arith.select %select_n3A_199, %add3A_198, %while3A_178 : i32
          %eq3A_201 = arith.cmpi eq, %select_n3A_200, %select_n3A : i32
          %select_n3A_202 = arith.constant 0 : i32
          %select_n3A_203 = arith.select %eq3A_201, %select_n3A_202, %select_n3A_200 : i32
          %add3A_204 = arith.addi %select_n3A_203, %select_n3A_16 : i32
          %add3A_205 = arith.constant 1 : i32
          %add3A_206 = arith.addi %select_n3A_203, %add3A_205 : i32
          %select_n3A_207 = arith.constant true
          %select_n3A_208 = arith.select %select_n3A_207, %add3A_206, %select_n3A_203 : i32
          %eq3A_209 = arith.cmpi eq, %select_n3A_208, %select_n3A : i32
          %select_n3A_210 = arith.constant 0 : i32
          %select_n3A_211 = arith.select %eq3A_209, %select_n3A_210, %select_n3A_208 : i32
          %add3A_212 = arith.addi %select_n3A_211, %select_n3A_16 : i32
          %ne3A = arith.cmpi ne, %add3A_186, %add3A_204 : i32
          %or3A = arith.constant false
          %or3A_213 = arith.ori %or3A, %ne3A : i1
          %sub3A_214 = arith.constant 2 : i32
          %sub3A_215 = arith.subi %mul3A_180, %sub3A_214 : i32
          %add3A_216 = arith.constant 1 : i32
          %add3A_217 = arith.addi %sub3A_215, %add3A_216 : i32
          %ge3A = arith.cmpi sge, %while3A_173, %add3A_217 : i32
          %not3A = arith.constant true
          %not3A_218 = arith.xori %ge3A, %not3A : i1
          %and3A = arith.andi %or3A_213, %not3A_218 : i1
          %convert_element_type3A_219 = arith.extui %and3A : i1 to i32
          %cond3A_220 = arith.constant 0 : i32
          %cond3A_221 = arith.cmpi ne, %convert_element_type3A_219, %cond3A_220 : i32
          scf.if %cond3A_221 {
            "tpu.trace_start"() <{level = 10 : i32, message = "ep_copy_in"}> : () -> ()
            %rem3A_327 = arith.constant 2 : i32
            %rem3A_328 = arith.remui %while3A_174, %rem3A_327 : i32
            %mul3A_329 = arith.constant 1280 : i32
            %mul3A_330 = arith.muli %mul3A_329, %add3A_204 : i32
            %dma_start3A_331 = arith.constant 0 : i32
            %dma_start3A_332 = arith.constant 0 : i32
            %dma_start3A_333 = tpu.memref_slice %run_scoped3A[%rem3A_328, %dma_start3A_331, %dma_start3A_332] : memref<2x1x1280xi32, #tpu.memory_space<vmem>> -> memref<1x1x1280xi32, #tpu.memory_space<vmem>>
            %dma_start3A_334 = tpu.memref_squeeze %dma_start3A_333 : memref<1x1x1280xi32, #tpu.memory_space<vmem>> -> memref<1x1280xi32, #tpu.memory_space<vmem>>
            %dma_start3A_335 = arith.constant 0 : i32
            %dma_start3A_336 = tpu.memref_slice %arg2[%dma_start3A_335, %mul3A_330] : memref<1x1600000xi32, #tpu.memory_space<hbm>> -> memref<1x1280xi32, #tpu.memory_space<hbm>>
            %dma_start3A_337 = tpu.memref_slice %run_scoped3A_24[%rem3A_328] : memref<2x!tpu.dma_semaphore, #tpu.memory_space<semaphore_mem>> -> memref<1x!tpu.dma_semaphore, #tpu.memory_space<semaphore_mem>>
            %dma_start3A_338 = tpu.memref_squeeze %dma_start3A_337 : memref<1x!tpu.dma_semaphore, #tpu.memory_space<semaphore_mem>> -> memref<!tpu.dma_semaphore, #tpu.memory_space<semaphore_mem>>
            %dma_start3A_339 = arith.constant 0 : i32
            %dma_start3A_340 = arith.constant 0 : i32
            %dma_start3A_341 = tpu.memref_slice %run_scoped3A[%rem3A_328, %dma_start3A_339, %dma_start3A_340] : memref<2x1x1280xi32, #tpu.memory_space<vmem>> -> memref<1x1x1280xi32, #tpu.memory_space<vmem>>
            %dma_start3A_342 = tpu.memref_squeeze %dma_start3A_341 : memref<1x1x1280xi32, #tpu.memory_space<vmem>> -> memref<1x1280xi32, #tpu.memory_space<vmem>>
            %dma_start3A_343 = arith.constant 0 : i32
            %dma_start3A_344 = tpu.memref_slice %arg2[%dma_start3A_343, %mul3A_330] : memref<1x1600000xi32, #tpu.memory_space<hbm>> -> memref<1x1280xi32, #tpu.memory_space<hbm>>
            tpu.enqueue_dma source(%dma_start3A_344 : memref<1x1280xi32, #tpu.memory_space<hbm>>) target(%dma_start3A_342 : memref<1x1280xi32, #tpu.memory_space<vmem>>) target_semaphore(%dma_start3A_338 : memref<!tpu.dma_semaphore, #tpu.memory_space<semaphore_mem>>)
            "tpu.trace_stop"() : () -> ()
          } else {
          }
          %and3A_222 = arith.constant true
          %and3A_223 = arith.andi %and3A, %and3A_222 : i1
          %add3A_224 = arith.constant 1 : i32
          %add3A_225 = arith.addi %while3A_174, %add3A_224 : i32
          %select_n3A_226 = arith.select %and3A_223, %add3A_225, %while3A_174 : i32
          %ne3A_227 = arith.cmpi ne, %add3A_186, %add3A_204 : i32
          %or3A_228 = arith.constant false
          %or3A_229 = arith.ori %or3A_228, %ne3A_227 : i1
          %sub3A_230 = arith.constant 2 : i32
          %sub3A_231 = arith.subi %mul3A_180, %sub3A_230 : i32
          %add3A_232 = arith.constant 1 : i32
          %add3A_233 = arith.addi %sub3A_231, %add3A_232 : i32
          %ge3A_234 = arith.cmpi sge, %while3A_173, %add3A_233 : i32
          %not3A_235 = arith.constant true
          %not3A_236 = arith.xori %ge3A_234, %not3A_235 : i1
          %and3A_237 = arith.andi %or3A_229, %not3A_236 : i1
          %convert_element_type3A_238 = arith.extui %and3A_237 : i1 to i32
          %cond3A_239 = arith.constant 0 : i32
          %cond3A_240 = arith.cmpi ne, %convert_element_type3A_238, %cond3A_239 : i32
          scf.if %cond3A_240 {
            "tpu.trace_start"() <{level = 10 : i32, message = "ep_copy_in"}> : () -> ()
            %rem3A_327 = arith.constant 2 : i32
            %rem3A_328 = arith.remui %while3A_176, %rem3A_327 : i32
            %mul3A_329 = arith.constant 1280 : i32
            %mul3A_330 = arith.muli %mul3A_329, %add3A_204 : i32
            %dma_start3A_331 = arith.constant 0 : i32
            %dma_start3A_332 = arith.constant 0 : i32
            %dma_start3A_333 = tpu.memref_slice %run_scoped3A_25[%rem3A_328, %dma_start3A_331, %dma_start3A_332] : memref<2x1x1280xi32, #tpu.memory_space<vmem>> -> memref<1x1x1280xi32, #tpu.memory_space<vmem>>
            %dma_start3A_334 = tpu.memref_squeeze %dma_start3A_333 : memref<1x1x1280xi32, #tpu.memory_space<vmem>> -> memref<1x1280xi32, #tpu.memory_space<vmem>>
            %dma_start3A_335 = arith.constant 0 : i32
            %dma_start3A_336 = tpu.memref_slice %arg3[%dma_start3A_335, %mul3A_330] : memref<1x1600000xi32, #tpu.memory_space<hbm>> -> memref<1x1280xi32, #tpu.memory_space<hbm>>
            %dma_start3A_337 = tpu.memref_slice %run_scoped3A_26[%rem3A_328] : memref<2x!tpu.dma_semaphore, #tpu.memory_space<semaphore_mem>> -> memref<1x!tpu.dma_semaphore, #tpu.memory_space<semaphore_mem>>
            %dma_start3A_338 = tpu.memref_squeeze %dma_start3A_337 : memref<1x!tpu.dma_semaphore, #tpu.memory_space<semaphore_mem>> -> memref<!tpu.dma_semaphore, #tpu.memory_space<semaphore_mem>>
            %dma_start3A_339 = arith.constant 0 : i32
            %dma_start3A_340 = arith.constant 0 : i32
            %dma_start3A_341 = tpu.memref_slice %run_scoped3A_25[%rem3A_328, %dma_start3A_339, %dma_start3A_340] : memref<2x1x1280xi32, #tpu.memory_space<vmem>> -> memref<1x1x1280xi32, #tpu.memory_space<vmem>>
            %dma_start3A_342 = tpu.memref_squeeze %dma_start3A_341 : memref<1x1x1280xi32, #tpu.memory_space<vmem>> -> memref<1x1280xi32, #tpu.memory_space<vmem>>
            %dma_start3A_343 = arith.constant 0 : i32
            %dma_start3A_344 = tpu.memref_slice %arg3[%dma_start3A_343, %mul3A_330] : memref<1x1600000xi32, #tpu.memory_space<hbm>> -> memref<1x1280xi32, #tpu.memory_space<hbm>>
            tpu.enqueue_dma source(%dma_start3A_344 : memref<1x1280xi32, #tpu.memory_space<hbm>>) target(%dma_start3A_342 : memref<1x1280xi32, #tpu.memory_space<vmem>>) target_semaphore(%dma_start3A_338 : memref<!tpu.dma_semaphore, #tpu.memory_space<semaphore_mem>>)
            "tpu.trace_stop"() : () -> ()
          } else {
          }
          %and3A_241 = arith.constant true
          %and3A_242 = arith.andi %and3A_237, %and3A_241 : i1
          %add3A_243 = arith.constant 1 : i32
          %add3A_244 = arith.addi %while3A_176, %add3A_243 : i32
          %select_n3A_245 = arith.select %and3A_242, %add3A_244, %while3A_176 : i32
          %ne3A_246 = arith.cmpi ne, %add3A_186, %add3A_196 : i32
          %or3A_247 = arith.constant false
          %or3A_248 = arith.ori %or3A_247, %ne3A_246 : i1
          %or3A_249 = arith.ori %or3A_248, %eq3A_182 : i1
          %convert_element_type3A_250 = arith.extui %or3A_249 : i1 to i32
          %cond3A_251 = arith.constant 0 : i32
          %cond3A_252 = arith.cmpi ne, %convert_element_type3A_250, %cond3A_251 : i32
          scf.if %cond3A_252 {
            "tpu.trace_start"() <{level = 10 : i32, message = "ep_wait_in"}> : () -> ()
            %mul3A_327 = arith.constant 1280 : i32
            %mul3A_328 = arith.muli %mul3A_327, %add3A_186 : i32
            %rem3A_329 = arith.constant 2 : i32
            %rem3A_330 = arith.remui %while3A_175, %rem3A_329 : i32
            %dma_wait3A = arith.constant 0 : i32
            %dma_wait3A_331 = arith.constant 0 : i32
            %dma_wait3A_332 = tpu.memref_slice %run_scoped3A[%rem3A_330, %dma_wait3A, %dma_wait3A_331] : memref<2x1x1280xi32, #tpu.memory_space<vmem>> -> memref<1x1x1280xi32, #tpu.memory_space<vmem>>
            %dma_wait3A_333 = tpu.memref_squeeze %dma_wait3A_332 : memref<1x1x1280xi32, #tpu.memory_space<vmem>> -> memref<1x1280xi32, #tpu.memory_space<vmem>>
            %dma_wait3A_334 = arith.constant 0 : i32
            %dma_wait3A_335 = tpu.memref_slice %arg2[%dma_wait3A_334, %mul3A_328] : memref<1x1600000xi32, #tpu.memory_space<hbm>> -> memref<1x1280xi32, #tpu.memory_space<hbm>>
            %dma_wait3A_336 = tpu.memref_slice %run_scoped3A_24[%rem3A_330] : memref<2x!tpu.dma_semaphore, #tpu.memory_space<semaphore_mem>> -> memref<1x!tpu.dma_semaphore, #tpu.memory_space<semaphore_mem>>
            %dma_wait3A_337 = tpu.memref_squeeze %dma_wait3A_336 : memref<1x!tpu.dma_semaphore, #tpu.memory_space<semaphore_mem>> -> memref<!tpu.dma_semaphore, #tpu.memory_space<semaphore_mem>>
            %dma_wait3A_338 = arith.constant 0 : i32
            %dma_wait3A_339 = arith.constant 0 : i32
            %dma_wait3A_340 = tpu.memref_slice %run_scoped3A[%rem3A_330, %dma_wait3A_338, %dma_wait3A_339] : memref<2x1x1280xi32, #tpu.memory_space<vmem>> -> memref<1x1x1280xi32, #tpu.memory_space<vmem>>
            %dma_wait3A_341 = tpu.memref_squeeze %dma_wait3A_340 : memref<1x1x1280xi32, #tpu.memory_space<vmem>> -> memref<1x1280xi32, #tpu.memory_space<vmem>>
            %dma_wait3A_342 = arith.constant 0 : i32
            %dma_wait3A_343 = tpu.memref_slice %arg2[%dma_wait3A_342, %mul3A_328] : memref<1x1600000xi32, #tpu.memory_space<hbm>> -> memref<1x1280xi32, #tpu.memory_space<hbm>>
            tpu.wait_dma2 semaphore(%dma_wait3A_337 : memref<!tpu.dma_semaphore, #tpu.memory_space<semaphore_mem>>) src(%dma_wait3A_343 : memref<1x1280xi32, #tpu.memory_space<hbm>>) dst(%dma_wait3A_341 : memref<1x1280xi32, #tpu.memory_space<vmem>>)
            "tpu.trace_stop"() : () -> ()
          } else {
          }
          %ne3A_253 = arith.cmpi ne, %add3A_186, %add3A_196 : i32
          %or3A_254 = arith.constant false
          %or3A_255 = arith.ori %or3A_254, %ne3A_253 : i1
          %or3A_256 = arith.ori %or3A_255, %eq3A_182 : i1
          %convert_element_type3A_257 = arith.extui %or3A_256 : i1 to i32
          %cond3A_258 = arith.constant 0 : i32
          %cond3A_259 = arith.cmpi ne, %convert_element_type3A_257, %cond3A_258 : i32
          scf.if %cond3A_259 {
            "tpu.trace_start"() <{level = 10 : i32, message = "ep_wait_in"}> : () -> ()
            %mul3A_327 = arith.constant 1280 : i32
            %mul3A_328 = arith.muli %mul3A_327, %add3A_186 : i32
            %rem3A_329 = arith.constant 2 : i32
            %rem3A_330 = arith.remui %while3A_177, %rem3A_329 : i32
            %dma_wait3A = arith.constant 0 : i32
            %dma_wait3A_331 = arith.constant 0 : i32
            %dma_wait3A_332 = tpu.memref_slice %run_scoped3A_25[%rem3A_330, %dma_wait3A, %dma_wait3A_331] : memref<2x1x1280xi32, #tpu.memory_space<vmem>> -> memref<1x1x1280xi32, #tpu.memory_space<vmem>>
            %dma_wait3A_333 = tpu.memref_squeeze %dma_wait3A_332 : memref<1x1x1280xi32, #tpu.memory_space<vmem>> -> memref<1x1280xi32, #tpu.memory_space<vmem>>
            %dma_wait3A_334 = arith.constant 0 : i32
            %dma_wait3A_335 = tpu.memref_slice %arg3[%dma_wait3A_334, %mul3A_328] : memref<1x1600000xi32, #tpu.memory_space<hbm>> -> memref<1x1280xi32, #tpu.memory_space<hbm>>
            %dma_wait3A_336 = tpu.memref_slice %run_scoped3A_26[%rem3A_330] : memref<2x!tpu.dma_semaphore, #tpu.memory_space<semaphore_mem>> -> memref<1x!tpu.dma_semaphore, #tpu.memory_space<semaphore_mem>>
            %dma_wait3A_337 = tpu.memref_squeeze %dma_wait3A_336 : memref<1x!tpu.dma_semaphore, #tpu.memory_space<semaphore_mem>> -> memref<!tpu.dma_semaphore, #tpu.memory_space<semaphore_mem>>
            %dma_wait3A_338 = arith.constant 0 : i32
            %dma_wait3A_339 = arith.constant 0 : i32
            %dma_wait3A_340 = tpu.memref_slice %run_scoped3A_25[%rem3A_330, %dma_wait3A_338, %dma_wait3A_339] : memref<2x1x1280xi32, #tpu.memory_space<vmem>> -> memref<1x1x1280xi32, #tpu.memory_space<vmem>>
            %dma_wait3A_341 = tpu.memref_squeeze %dma_wait3A_340 : memref<1x1x1280xi32, #tpu.memory_space<vmem>> -> memref<1x1280xi32, #tpu.memory_space<vmem>>
            %dma_wait3A_342 = arith.constant 0 : i32
            %dma_wait3A_343 = tpu.memref_slice %arg3[%dma_wait3A_342, %mul3A_328] : memref<1x1600000xi32, #tpu.memory_space<hbm>> -> memref<1x1280xi32, #tpu.memory_space<hbm>>
            tpu.wait_dma2 semaphore(%dma_wait3A_337 : memref<!tpu.dma_semaphore, #tpu.memory_space<semaphore_mem>>) src(%dma_wait3A_343 : memref<1x1280xi32, #tpu.memory_space<hbm>>) dst(%dma_wait3A_341 : memref<1x1280xi32, #tpu.memory_space<vmem>>)
            "tpu.trace_stop"() : () -> ()
          } else {
          }
          %rem3A_260 = arith.constant 2 : i32
          %rem3A_261 = arith.remui %while3A_175, %rem3A_260 : i32
          %rem3A_262 = arith.constant 2 : i32
          %rem3A_263 = arith.remui %while3A_177, %rem3A_262 : i32
          %run_scoped3A_264 = arith.constant 0 : i32
          "tpu.trace_start"() <{level = 10 : i32, message = "ep_run_kernel"}> : () -> ()
          "tpu.region"() ({
            %run_scoped3A_327 = tpu.sem_alloc : memref<!tpu.dma_semaphore, #tpu.memory_space<semaphore_mem>>
            %dma_start3A_328 = arith.constant 0 : i32
            %dma_start3A_329 = arith.constant 0 : i32
            %dma_start3A_330 = tpu.memref_slice %run_scoped3A[%rem3A_261, %dma_start3A_328, %dma_start3A_329] : memref<2x1x1280xi32, #tpu.memory_space<vmem>> -> memref<1x1x1280xi32, #tpu.memory_space<vmem>>
            %dma_start3A_331 = tpu.memref_squeeze %dma_start3A_330 : memref<1x1x1280xi32, #tpu.memory_space<vmem>> -> memref<1x1280xi32, #tpu.memory_space<vmem>>
            %dma_start3A_332 = arith.constant 0 : i32
            %dma_start3A_333 = tpu.memref_slice %dma_start3A_331[%run_scoped3A_264, %dma_start3A_332] : memref<1x1280xi32, #tpu.memory_space<vmem>> -> memref<1x1280xi32, #tpu.memory_space<vmem>>
            %dma_start3A_334 = tpu.memref_squeeze %dma_start3A_333 : memref<1x1280xi32, #tpu.memory_space<vmem>> -> memref<1280xi32, #tpu.memory_space<vmem>>
            %dma_start3A_335 = arith.constant 0 : i32
            %dma_start3A_336 = arith.constant 0 : i32
            %dma_start3A_337 = tpu.memref_slice %arg4[%dma_start3A_335, %dma_start3A_336] : memref<802816x16xf32, #tpu.memory_space<hbm>> -> memref<802816x16xf32, #tpu.memory_space<hbm>>
            tpu.enqueue_indirect_dma source(%dma_start3A_337 : memref<802816x16xf32, #tpu.memory_space<hbm>>) target(%arg8 : memref<1280x16xf32, #tpu.memory_space<vmem>>) offsets(%dma_start3A_334 : memref<1280xi32, #tpu.memory_space<vmem>>) semaphore(%run_scoped3A_327 : memref<!tpu.dma_semaphore, #tpu.memory_space<semaphore_mem>>)
            %dma_wait3A = arith.constant 0 : i32
            %dma_wait3A_338 = arith.constant 0 : i32
            %dma_wait3A_339 = tpu.memref_slice %run_scoped3A[%rem3A_261, %dma_wait3A, %dma_wait3A_338] : memref<2x1x1280xi32, #tpu.memory_space<vmem>> -> memref<1x1x1280xi32, #tpu.memory_space<vmem>>
            %dma_wait3A_340 = tpu.memref_squeeze %dma_wait3A_339 : memref<1x1x1280xi32, #tpu.memory_space<vmem>> -> memref<1x1280xi32, #tpu.memory_space<vmem>>
            %dma_wait3A_341 = arith.constant 0 : i32
            %dma_wait3A_342 = tpu.memref_slice %dma_wait3A_340[%run_scoped3A_264, %dma_wait3A_341] : memref<1x1280xi32, #tpu.memory_space<vmem>> -> memref<1x1280xi32, #tpu.memory_space<vmem>>
            %dma_wait3A_343 = tpu.memref_squeeze %dma_wait3A_342 : memref<1x1280xi32, #tpu.memory_space<vmem>> -> memref<1280xi32, #tpu.memory_space<vmem>>
            %dma_wait3A_344 = arith.constant 0 : i32
            %dma_wait3A_345 = arith.constant 0 : i32
            %dma_wait3A_346 = tpu.memref_slice %arg4[%dma_wait3A_344, %dma_wait3A_345] : memref<802816x16xf32, #tpu.memory_space<hbm>> -> memref<802816x16xf32, #tpu.memory_space<hbm>>
            tpu.wait_indirect_dma semaphore(%run_scoped3A_327 : memref<!tpu.dma_semaphore, #tpu.memory_space<semaphore_mem>>) src(%dma_wait3A_346 : memref<802816x16xf32, #tpu.memory_space<hbm>>) dst(%arg8 : memref<1280x16xf32, #tpu.memory_space<vmem>>)
            tpu.yield
          }) : () -> ()
          %run_scoped3A_265 = arith.constant 0 : i32
          "tpu.region"() ({
            %run_scoped3A_327 = tpu.sem_alloc : memref<!tpu.dma_semaphore, #tpu.memory_space<semaphore_mem>>
            %dma_start3A_328 = arith.constant 0 : i32
            %dma_start3A_329 = arith.constant 0 : i32
            %dma_start3A_330 = tpu.memref_slice %run_scoped3A_25[%rem3A_263, %dma_start3A_328, %dma_start3A_329] : memref<2x1x1280xi32, #tpu.memory_space<vmem>> -> memref<1x1x1280xi32, #tpu.memory_space<vmem>>
            %dma_start3A_331 = tpu.memref_squeeze %dma_start3A_330 : memref<1x1x1280xi32, #tpu.memory_space<vmem>> -> memref<1x1280xi32, #tpu.memory_space<vmem>>
            %dma_start3A_332 = arith.constant 0 : i32
            %dma_start3A_333 = tpu.memref_slice %dma_start3A_331[%run_scoped3A_265, %dma_start3A_332] : memref<1x1280xi32, #tpu.memory_space<vmem>> -> memref<1x1280xi32, #tpu.memory_space<vmem>>
            %dma_start3A_334 = tpu.memref_squeeze %dma_start3A_333 : memref<1x1280xi32, #tpu.memory_space<vmem>> -> memref<1280xi32, #tpu.memory_space<vmem>>
            %dma_start3A_335 = arith.constant 0 : i32
            %dma_start3A_336 = arith.constant 0 : i32
            %dma_start3A_337 = tpu.memref_slice %arg7[%dma_start3A_335, %dma_start3A_336] : memref<100352x16xf32, #tpu.memory_space<vmem_shared>> -> memref<100352x16xf32, #tpu.memory_space<vmem_shared>>
            tpu.enqueue_indirect_dma source(%arg8 : memref<1280x16xf32, #tpu.memory_space<vmem>>) target(%dma_start3A_337 : memref<100352x16xf32, #tpu.memory_space<vmem_shared>>) offsets(%dma_start3A_334 : memref<1280xi32, #tpu.memory_space<vmem>>) semaphore(%run_scoped3A_327 : memref<!tpu.dma_semaphore, #tpu.memory_space<semaphore_mem>>) {add = true}
            %dma_wait3A = arith.constant 0 : i32
            %dma_wait3A_338 = arith.constant 0 : i32
            %dma_wait3A_339 = tpu.memref_slice %run_scoped3A_25[%rem3A_263, %dma_wait3A, %dma_wait3A_338] : memref<2x1x1280xi32, #tpu.memory_space<vmem>> -> memref<1x1x1280xi32, #tpu.memory_space<vmem>>
            %dma_wait3A_340 = tpu.memref_squeeze %dma_wait3A_339 : memref<1x1x1280xi32, #tpu.memory_space<vmem>> -> memref<1x1280xi32, #tpu.memory_space<vmem>>
            %dma_wait3A_341 = arith.constant 0 : i32
            %dma_wait3A_342 = tpu.memref_slice %dma_wait3A_340[%run_scoped3A_265, %dma_wait3A_341] : memref<1x1280xi32, #tpu.memory_space<vmem>> -> memref<1x1280xi32, #tpu.memory_space<vmem>>
            %dma_wait3A_343 = tpu.memref_squeeze %dma_wait3A_342 : memref<1x1280xi32, #tpu.memory_space<vmem>> -> memref<1280xi32, #tpu.memory_space<vmem>>
            %dma_wait3A_344 = arith.constant 0 : i32
            %dma_wait3A_345 = arith.constant 0 : i32
            %dma_wait3A_346 = tpu.memref_slice %arg7[%dma_wait3A_344, %dma_wait3A_345] : memref<100352x16xf32, #tpu.memory_space<vmem_shared>> -> memref<100352x16xf32, #tpu.memory_space<vmem_shared>>
            tpu.wait_indirect_dma semaphore(%run_scoped3A_327 : memref<!tpu.dma_semaphore, #tpu.memory_space<semaphore_mem>>) src(%arg8 : memref<1280x16xf32, #tpu.memory_space<vmem>>) dst(%dma_wait3A_346 : memref<100352x16xf32, #tpu.memory_space<vmem_shared>>)
            tpu.yield
          }) : () -> ()
          "tpu.trace_stop"() : () -> ()
          %ne3A_266 = arith.cmpi ne, %add3A_186, %add3A_204 : i32
          %or3A_267 = arith.constant false
          %or3A_268 = arith.ori %or3A_267, %ne3A_266 : i1
          %or3A_269 = arith.ori %or3A_268, %eq3A_185 : i1
          %convert_element_type3A_270 = arith.extui %or3A_269 : i1 to i32
          %cond3A_271 = arith.constant 0 : i32
          %cond3A_272 = arith.cmpi ne, %convert_element_type3A_270, %cond3A_271 : i32
          scf.if %cond3A_272 {
          } else {
          }
          %and3A_273 = arith.constant false
          %and3A_274 = arith.andi %or3A_269, %and3A_273 : i1
          %ne3A_275 = arith.cmpi ne, %add3A_186, %add3A_204 : i32
          %or3A_276 = arith.constant false
          %or3A_277 = arith.ori %or3A_276, %ne3A_275 : i1
          %or3A_278 = arith.ori %or3A_277, %eq3A_185 : i1
          %convert_element_type3A_279 = arith.extui %or3A_278 : i1 to i32
          %cond3A_280 = arith.constant 0 : i32
          %cond3A_281 = arith.cmpi ne, %convert_element_type3A_279, %cond3A_280 : i32
          scf.if %cond3A_281 {
          } else {
          }
          %and3A_282 = arith.constant false
          %and3A_283 = arith.andi %or3A_278, %and3A_282 : i1
          %ne3A_284 = arith.cmpi ne, %add3A_186, %add3A_196 : i32
          %or3A_285 = arith.constant false
          %or3A_286 = arith.ori %or3A_285, %ne3A_284 : i1
          %not3A_287 = arith.constant true
          %not3A_288 = arith.xori %eq3A_182, %not3A_287 : i1
          %and3A_289 = arith.andi %or3A_286, %not3A_288 : i1
          %convert_element_type3A_290 = arith.extui %and3A_289 : i1 to i32
          %cond3A_291 = arith.constant 0 : i32
          %cond3A_292 = arith.cmpi ne, %convert_element_type3A_290, %cond3A_291 : i32
          scf.if %cond3A_292 {
          } else {
          }
          %and3A_293 = arith.constant false
          %and3A_294 = arith.andi %and3A_289, %and3A_293 : i1
          %ne3A_295 = arith.cmpi ne, %add3A_186, %add3A_196 : i32
          %or3A_296 = arith.constant false
          %or3A_297 = arith.ori %or3A_296, %ne3A_295 : i1
          %not3A_298 = arith.constant true
          %not3A_299 = arith.xori %eq3A_182, %not3A_298 : i1
          %and3A_300 = arith.andi %or3A_297, %not3A_299 : i1
          %convert_element_type3A_301 = arith.extui %and3A_300 : i1 to i32
          %cond3A_302 = arith.constant 0 : i32
          %cond3A_303 = arith.cmpi ne, %convert_element_type3A_301, %cond3A_302 : i32
          scf.if %cond3A_303 {
          } else {
          }
          %and3A_304 = arith.constant false
          %and3A_305 = arith.andi %and3A_300, %and3A_304 : i1
          %ne3A_306 = arith.cmpi ne, %add3A_186, %add3A_204 : i32
          %or3A_307 = arith.constant false
          %or3A_308 = arith.ori %or3A_307, %ne3A_306 : i1
          %or3A_309 = arith.ori %or3A_308, %eq3A_185 : i1
          %add3A_310 = arith.constant 1 : i32
          %add3A_311 = arith.addi %while3A_175, %add3A_310 : i32
          %select_n3A_312 = arith.select %or3A_309, %add3A_311, %while3A_175 : i32
          %ne3A_313 = arith.cmpi ne, %add3A_186, %add3A_204 : i32
          %or3A_314 = arith.constant false
          %or3A_315 = arith.ori %or3A_314, %ne3A_313 : i1
          %or3A_316 = arith.ori %or3A_315, %eq3A_185 : i1
          %add3A_317 = arith.constant 1 : i32
          %add3A_318 = arith.addi %while3A_177, %add3A_317 : i32
          %select_n3A_319 = arith.select %or3A_316, %add3A_318, %while3A_177 : i32
          %add3A_320 = arith.constant 1 : i32
          %add3A_321 = arith.addi %while3A_178, %add3A_320 : i32
          %select_n3A_322 = arith.constant true
          %select_n3A_323 = arith.select %select_n3A_322, %add3A_321, %while3A_178 : i32
          %eq3A_324 = arith.cmpi eq, %select_n3A_323, %select_n3A : i32
          %select_n3A_325 = arith.constant 0 : i32
          %select_n3A_326 = arith.select %eq3A_324, %select_n3A_325, %select_n3A_323 : i32
          scf.yield %select_n3A_226, %select_n3A_312, %select_n3A_245, %select_n3A_319, %select_n3A_326 : i32, i32, i32, i32, i32
        }
        %sub3A_122 = arith.constant 1 : i32
        %sub3A_123 = arith.subi %while3A_121#4, %sub3A_122 : i32
        %select_n3A_124 = arith.constant true
        %select_n3A_125 = arith.select %select_n3A_124, %sub3A_123, %while3A_121#4 : i32
        %eq3A_126 = arith.constant -1 : i32
        %eq3A_127 = arith.cmpi eq, %select_n3A_125, %eq3A_126 : i32
        %sub3A_128 = arith.constant 1 : i32
        %sub3A_129 = arith.subi %select_n3A, %sub3A_128 : i32
        %select_n3A_130 = arith.select %eq3A_127, %sub3A_129, %select_n3A_125 : i32
        %sub3A_131 = arith.constant 1 : i32
        %sub3A_132 = arith.subi %mul3A_18, %sub3A_131 : i32
        %mul3A_133 = arith.constant 1 : i32
        %mul3A_134 = arith.muli %mul3A_133, %select_n3A : i32
        %eq3A_135 = arith.constant 0 : i32
        %eq3A_136 = arith.cmpi eq, %sub3A_132, %eq3A_135 : i32
        %sub3A_137 = arith.constant 1 : i32
        %sub3A_138 = arith.subi %mul3A_134, %sub3A_137 : i32
        %eq3A_139 = arith.cmpi eq, %sub3A_132, %sub3A_138 : i32
        %add3A_140 = arith.addi %select_n3A_130, %select_n3A_16 : i32
        %sub3A_141 = arith.constant 1 : i32
        %sub3A_142 = arith.subi %select_n3A_130, %sub3A_141 : i32
        %select_n3A_143 = arith.constant true
        %select_n3A_144 = arith.select %select_n3A_143, %sub3A_142, %select_n3A_130 : i32
        %eq3A_145 = arith.constant -1 : i32
        %eq3A_146 = arith.cmpi eq, %select_n3A_144, %eq3A_145 : i32
        %sub3A_147 = arith.constant 1 : i32
        %sub3A_148 = arith.subi %select_n3A, %sub3A_147 : i32
        %select_n3A_149 = arith.select %eq3A_146, %sub3A_148, %select_n3A_144 : i32
        %add3A_150 = arith.addi %select_n3A_149, %select_n3A_16 : i32
        %add3A_151 = arith.constant 1 : i32
        %add3A_152 = arith.addi %select_n3A_130, %add3A_151 : i32
        %select_n3A_153 = arith.constant true
        %select_n3A_154 = arith.select %select_n3A_153, %add3A_152, %select_n3A_130 : i32
        %eq3A_155 = arith.cmpi eq, %select_n3A_154, %select_n3A : i32
        %select_n3A_156 = arith.constant 0 : i32
        %select_n3A_157 = arith.select %eq3A_155, %select_n3A_156, %select_n3A_154 : i32
        %add3A_158 = arith.addi %select_n3A_157, %select_n3A_16 : i32
        %add3A_159 = arith.constant 1 : i32
        %add3A_160 = arith.addi %select_n3A_157, %add3A_159 : i32
        %select_n3A_161 = arith.constant true
        %select_n3A_162 = arith.select %select_n3A_161, %add3A_160, %select_n3A_157 : i32
        %eq3A_163 = arith.cmpi eq, %select_n3A_162, %select_n3A : i32
        %select_n3A_164 = arith.constant 0 : i32
        %select_n3A_165 = arith.select %eq3A_163, %select_n3A_164, %select_n3A_162 : i32
        %add3A_166 = arith.addi %select_n3A_165, %select_n3A_16 : i32
        %convert_element_type3A_167 = arith.extui %eq3A_139 : i1 to i32
        %cond3A_168 = arith.constant 0 : i32
        %cond3A_169 = arith.cmpi ne, %convert_element_type3A_167, %cond3A_168 : i32
        scf.if %cond3A_169 {
        } else {
        }
        %convert_element_type3A_170 = arith.extui %eq3A_139 : i1 to i32
        %cond3A_171 = arith.constant 0 : i32
        %cond3A_172 = arith.cmpi ne, %convert_element_type3A_170, %cond3A_171 : i32
        scf.if %cond3A_172 {
        } else {
        }
      } else {
      }
      tpu.yield
    }) : () -> ()
    %barrier3A_19 = arith.constant 0 : index
    tpu.barrier barrier_id(%barrier3A_19)
    %mul3A_20 = arith.constant 6272 : i32
    %mul3A_21 = arith.muli %arg1, %mul3A_20 : i32
    %mul3A_22 = arith.constant 6272 : i32
    %mul3A_23 = arith.muli %arg1, %mul3A_22 : i32
    "tpu.region"() ({
      %run_scoped3A = tpu.sem_alloc : memref<!tpu.dma_semaphore, #tpu.memory_space<semaphore_mem>>
      %dma_start3A = arith.constant 0 : i32
      %dma_start3A_24 = tpu.memref_slice %arg6[%arg0, %mul3A_23, %dma_start3A] : memref<2x100352x128xf32, #tpu.memory_space<hbm>> -> memref<1x6272x16xf32, #tpu.memory_space<hbm>>
      %dma_start3A_25 = tpu.memref_squeeze %dma_start3A_24 : memref<1x6272x16xf32, #tpu.memory_space<hbm>> -> memref<6272x16xf32, #tpu.memory_space<hbm>>
      %dma_start3A_26 = arith.constant 0 : i32
      %dma_start3A_27 = tpu.memref_slice %arg7[%mul3A_21, %dma_start3A_26] : memref<100352x16xf32, #tpu.memory_space<vmem_shared>> -> memref<6272x16xf32, #tpu.memory_space<vmem_shared>>
      tpu.enqueue_dma source(%dma_start3A_27 : memref<6272x16xf32, #tpu.memory_space<vmem_shared>>) target(%dma_start3A_25 : memref<6272x16xf32, #tpu.memory_space<hbm>>) target_semaphore(%run_scoped3A : memref<!tpu.dma_semaphore, #tpu.memory_space<semaphore_mem>>)
      %dma_wait3A = arith.constant 0 : i32
      %dma_wait3A_28 = tpu.memref_slice %arg6[%arg0, %mul3A_23, %dma_wait3A] : memref<2x100352x128xf32, #tpu.memory_space<hbm>> -> memref<1x6272x16xf32, #tpu.memory_space<hbm>>
      %dma_wait3A_29 = tpu.memref_squeeze %dma_wait3A_28 : memref<1x6272x16xf32, #tpu.memory_space<hbm>> -> memref<6272x16xf32, #tpu.memory_space<hbm>>
      %dma_wait3A_30 = arith.constant 0 : i32
      %dma_wait3A_31 = tpu.memref_slice %arg7[%mul3A_21, %dma_wait3A_30] : memref<100352x16xf32, #tpu.memory_space<vmem_shared>> -> memref<6272x16xf32, #tpu.memory_space<vmem_shared>>
      tpu.wait_dma2 semaphore(%run_scoped3A : memref<!tpu.dma_semaphore, #tpu.memory_space<semaphore_mem>>) src(%dma_wait3A_31 : memref<6272x16xf32, #tpu.memory_space<vmem_shared>>) dst(%dma_wait3A_29 : memref<6272x16xf32, #tpu.memory_space<hbm>>)
      tpu.yield
    }) : () -> ()
    return
  }
}

module attributes {stable_mosaic.version = 14 : i64} {
  func.func @_y_body(%arg0: i32, %arg1: memref<2048x34xf32, #tpu.memory_space<vmem>>, %arg2: memref<34x10xf32, #tpu.memory_space<vmem>>, %arg3: memref<2048xf32, #tpu.memory_space<vmem>>, %arg4: memref<2048xf32, #tpu.memory_space<vmem>>, %arg5: memref<2048x128xf32, #tpu.memory_space<vmem>>) attributes {dimension_semantics = [#tpu.dimension_semantics<arbitrary>], iteration_bounds = array<i64: 49>, scalar_prefetch = 0 : i64, scratch_operands = 0 : i64, tpu.core_type = #tpu.core_type<tc>, window_params = [{transform_indices = @transform_0, window_bounds = array<i64: 2048, 34>}, {pipeline_mode = #tpu.pipeline_mode<synchronous>, transform_indices = @transform_1, window_bounds = array<i64: 34, 10>}, {transform_indices = @transform_2, window_bounds = array<i64: 2048>}, {transform_indices = @transform_3, window_bounds = array<i64: 2048>}, {transform_indices = @transform_4, window_bounds = array<i64: 2048, 128>}]} {
    %get3A = arith.constant 0 : index
    %get3A_0 = arith.constant 0 : index
    %get3A_1 = vector.load %arg1[%get3A, %get3A_0] : memref<2048x34xf32, #tpu.memory_space<vmem>>, vector<2048x34xf32>
    %get3A_2 = arith.constant 0 : index
    %get3A_3 = arith.constant 0 : index
    %get3A_4 = vector.load %arg2[%get3A_2, %get3A_3] : memref<34x10xf32, #tpu.memory_space<vmem>>, vector<34x10xf32>
    %dot_general3A = arith.constant dense<0.000000e+00> : vector<2048x10xf32>
    %dot_general3A_5 = tpu.matmul %get3A_1, %get3A_4, %dot_general3A {dimension_numbers = #tpu.dot_dimension_numbers<[1], [0], [0], [1], [0, 0, 1, 1], [], []>, transpose_lhs_hint = false} : vector<2048x34xf32>, vector<34x10xf32>, vector<2048x10xf32> -> vector<2048x10xf32>
    %get3A_6 = arith.constant 0 : index
    %get3A_7 = vector.load %arg3[%get3A_6] : memref<2048xf32, #tpu.memory_space<vmem>>, vector<2048xf32>
    %get3A_8 = arith.constant 0 : index
    %get3A_9 = vector.load %arg4[%get3A_8] : memref<2048xf32, #tpu.memory_space<vmem>>, vector<2048xf32>
    %add3A = arith.addf %get3A_7, %get3A_9 : vector<2048xf32>
    %add3A_10 = arith.constant 1.000000e+00 : f32
    %add3A_11 = vector.broadcast %add3A_10 : f32 to vector<2048xf32>
    %add3A_12 = arith.addf %add3A, %add3A_11 : vector<2048xf32>
    %reshape3A = vector.shape_cast %add3A_12 : vector<2048xf32> to vector<2048x1xf32>
    %rsqrt3A = math.rsqrt %reshape3A : vector<2048x1xf32>
    %broadcast_in_dim3A = arith.constant 0.000000e+00 : f32
    %broadcast_in_dim3A_13 = vector.broadcast %broadcast_in_dim3A : f32 to vector<2048x117xf32>
    %mul3A = vector.broadcast %rsqrt3A : vector<2048x1xf32> to vector<2048x10xf32>
    %mul3A_14 = arith.mulf %dot_general3A_5, %mul3A : vector<2048x10xf32>
    %concatenate3A = tpu.concatenate %mul3A_14, %rsqrt3A, %broadcast_in_dim3A_13 in 1 : vector<2048x10xf32>, vector<2048x1xf32>, vector<2048x117xf32> -> vector<2048x128xf32>
    %swap3A = arith.constant 0 : index
    %swap3A_15 = arith.constant 0 : index
    %swap3A_16 = vector.load %arg5[%swap3A, %swap3A_15] : memref<2048x128xf32, #tpu.memory_space<vmem>>, vector<2048x128xf32>
    tpu.vector_store %arg5[%swap3A, %swap3A_15], %concatenate3A {strides = array<i32>} : memref<2048x128xf32, #tpu.memory_space<vmem>>, vector<2048x128xf32>,
    return
  }
  func.func @transform_0(%arg0: i32) -> (i32, i32) {
    %c0_i32 = arith.constant 0 : i32
    %c0_i32_0 = arith.constant 0 : i32
    return %arg0, %c0_i32 : i32, i32
  }
  func.func @transform_1(%arg0: i32) -> (i32, i32) {
    %c0_i32 = arith.constant 0 : i32
    %c0_i32_0 = arith.constant 0 : i32
    %c0_i32_1 = arith.constant 0 : i32
    return %c0_i32, %c0_i32_0 : i32, i32
  }
  func.func @transform_2(%arg0: i32) -> i32 {
    %c0_i32 = arith.constant 0 : i32
    return %arg0 : i32
  }
  func.func @transform_3(%arg0: i32) -> i32 {
    %c0_i32 = arith.constant 0 : i32
    return %arg0 : i32
  }
  func.func @transform_4(%arg0: i32) -> (i32, i32) {
    %c0_i32 = arith.constant 0 : i32
    %c0_i32_0 = arith.constant 0 : i32
    return %arg0, %c0_i32 : i32, i32
  }
}

module attributes {stable_mosaic.version = 14 : i64} {
  func.func @_out_body(%arg0: i32, %arg1: memref<2x2048x128xf32, #tpu.memory_space<vmem>>, %arg2: memref<2048x128xf32, #tpu.memory_space<vmem>>, %arg3: memref<1x10xf32, #tpu.memory_space<vmem>>, %arg4: memref<10x4xf32, #tpu.memory_space<vmem>>, %arg5: memref<1x4xf32, #tpu.memory_space<vmem>>, %arg6: memref<2048x128xf32, #tpu.memory_space<vmem>>) attributes {dimension_semantics = [#tpu.dimension_semantics<arbitrary>], iteration_bounds = array<i64: 49>, scalar_prefetch = 0 : i64, scratch_operands = 0 : i64, tpu.core_type = #tpu.core_type<tc>, window_params = [{transform_indices = @transform_0, window_bounds = array<i64: 2, 2048, 128>}, {transform_indices = @transform_1, window_bounds = array<i64: 2048, 128>}, {pipeline_mode = #tpu.pipeline_mode<synchronous>, transform_indices = @transform_2, window_bounds = array<i64: 1, 10>}, {pipeline_mode = #tpu.pipeline_mode<synchronous>, transform_indices = @transform_3, window_bounds = array<i64: 10, 4>}, {pipeline_mode = #tpu.pipeline_mode<synchronous>, transform_indices = @transform_4, window_bounds = array<i64: 1, 4>}, {transform_indices = @transform_5, window_bounds = array<i64: 2048, 128>}]} {
    %get3A = arith.constant 0 : index
    %get3A_0 = arith.constant 0 : index
    %get3A_1 = arith.constant 0 : index
    %get3A_2 = vector.load %arg1[%get3A, %get3A_0, %get3A_1] : memref<2x2048x128xf32, #tpu.memory_space<vmem>>, vector<1x2048x128xf32>
    %get3A_3 = vector.shape_cast %get3A_2 : vector<1x2048x128xf32> to vector<2048x128xf32>
    %get3A_4 = arith.constant 1 : index
    %get3A_5 = arith.constant 0 : index
    %get3A_6 = arith.constant 0 : index
    %get3A_7 = vector.load %arg1[%get3A_4, %get3A_5, %get3A_6] : memref<2x2048x128xf32, #tpu.memory_space<vmem>>, vector<1x2048x128xf32>
    %get3A_8 = vector.shape_cast %get3A_7 : vector<1x2048x128xf32> to vector<2048x128xf32>
    %add3A = arith.addf %get3A_3, %get3A_8 : vector<2048x128xf32>
    %get3A_9 = arith.constant 0 : index
    %get3A_10 = arith.constant 0 : index
    %get3A_11 = vector.load %arg2[%get3A_9, %get3A_10] : memref<2048x128xf32, #tpu.memory_space<vmem>>, vector<2048x128xf32>
    %slice3A = vector.extract_strided_slice %add3A {offsets = [0, 0], sizes = [2048, 10], strides = [1, 1]} : vector<2048x128xf32> to vector<2048x10xf32>
    %slice3A_12 = vector.extract_strided_slice %get3A_11 {offsets = [0, 0], sizes = [2048, 10], strides = [1, 1]} : vector<2048x128xf32> to vector<2048x10xf32>
    %add3A_13 = arith.addf %slice3A, %slice3A_12 : vector<2048x10xf32>
    %slice3A_14 = vector.extract_strided_slice %get3A_11 {offsets = [0, 10], sizes = [2048, 1], strides = [1, 1]} : vector<2048x128xf32> to vector<2048x1xf32>
    %mul3A = vector.broadcast %slice3A_14 : vector<2048x1xf32> to vector<2048x10xf32>
    %mul3A_15 = arith.mulf %mul3A, %add3A_13 : vector<2048x10xf32>
    %get3A_16 = arith.constant 0 : index
    %get3A_17 = arith.constant 0 : index
    %get3A_18 = vector.load %arg3[%get3A_16, %get3A_17] : memref<1x10xf32, #tpu.memory_space<vmem>>, vector<1x10xf32>
    %add3A_19 = vector.broadcast %get3A_18 : vector<1x10xf32> to vector<2048x10xf32>
    %add3A_20 = arith.addf %mul3A_15, %add3A_19 : vector<2048x10xf32>
    %get3A_21 = arith.constant 0 : index
    %get3A_22 = arith.constant 0 : index
    %get3A_23 = vector.load %arg4[%get3A_21, %get3A_22] : memref<10x4xf32, #tpu.memory_space<vmem>>, vector<10x4xf32>
    %dot_general3A = arith.constant dense<0.000000e+00> : vector<2048x4xf32>
    %dot_general3A_24 = tpu.matmul %add3A_20, %get3A_23, %dot_general3A {dimension_numbers = #tpu.dot_dimension_numbers<[1], [0], [0], [1], [0, 0, 1, 1], [], []>, transpose_lhs_hint = false} : vector<2048x10xf32>, vector<10x4xf32>, vector<2048x4xf32> -> vector<2048x4xf32>
    %get3A_25 = arith.constant 0 : index
    %get3A_26 = arith.constant 0 : index
    %get3A_27 = vector.load %arg5[%get3A_25, %get3A_26] : memref<1x4xf32, #tpu.memory_space<vmem>>, vector<1x4xf32>
    %add3A_28 = vector.broadcast %get3A_27 : vector<1x4xf32> to vector<2048x4xf32>
    %add3A_29 = arith.addf %dot_general3A_24, %add3A_28 : vector<2048x4xf32>
    %max3A = arith.constant 0.000000e+00 : f32
    %max3A_30 = vector.broadcast %max3A : f32 to vector<2048x4xf32>
    %max3A_31 = arith.maximumf %add3A_29, %max3A_30 : vector<2048x4xf32>
    %broadcast_in_dim3A = arith.constant 0.000000e+00 : f32
    %broadcast_in_dim3A_32 = vector.broadcast %broadcast_in_dim3A : f32 to vector<2048x6xf32>
    %broadcast_in_dim3A_33 = arith.constant 0.000000e+00 : f32
    %broadcast_in_dim3A_34 = vector.broadcast %broadcast_in_dim3A_33 : f32 to vector<2048x108xf32>
    %concatenate3A = tpu.concatenate %add3A_20, %broadcast_in_dim3A_32, %max3A_31, %broadcast_in_dim3A_34 in 1 : vector<2048x10xf32>, vector<2048x6xf32>, vector<2048x4xf32>, vector<2048x108xf32> -> vector<2048x128xf32>
    %swap3A = arith.constant 0 : index
    %swap3A_35 = arith.constant 0 : index
    %swap3A_36 = vector.load %arg6[%swap3A, %swap3A_35] : memref<2048x128xf32, #tpu.memory_space<vmem>>, vector<2048x128xf32>
    tpu.vector_store %arg6[%swap3A, %swap3A_35], %concatenate3A {strides = array<i32>} : memref<2048x128xf32, #tpu.memory_space<vmem>>, vector<2048x128xf32>,
    return
  }
  func.func @transform_0(%arg0: i32) -> (i32, i32, i32) {
    %c0_i32 = arith.constant 0 : i32
    %c0_i32_0 = arith.constant 0 : i32
    %c0_i32_1 = arith.constant 0 : i32
    return %c0_i32, %arg0, %c0_i32_0 : i32, i32, i32
  }
  func.func @transform_1(%arg0: i32) -> (i32, i32) {
    %c0_i32 = arith.constant 0 : i32
    %c0_i32_0 = arith.constant 0 : i32
    return %arg0, %c0_i32 : i32, i32
  }
  func.func @transform_2(%arg0: i32) -> (i32, i32) {
    %c0_i32 = arith.constant 0 : i32
    %c0_i32_0 = arith.constant 0 : i32
    %c0_i32_1 = arith.constant 0 : i32
    return %c0_i32, %c0_i32_0 : i32, i32
  }
  func.func @transform_3(%arg0: i32) -> (i32, i32) {
    %c0_i32 = arith.constant 0 : i32
    %c0_i32_0 = arith.constant 0 : i32
    %c0_i32_1 = arith.constant 0 : i32
    return %c0_i32, %c0_i32_0 : i32, i32
  }
  func.func @transform_4(%arg0: i32) -> (i32, i32) {
    %c0_i32 = arith.constant 0 : i32
    %c0_i32_0 = arith.constant 0 : i32
    %c0_i32_1 = arith.constant 0 : i32
    return %c0_i32, %c0_i32_0 : i32, i32
  }
  func.func @transform_5(%arg0: i32) -> (i32, i32) {
    %c0_i32 = arith.constant 0 : i32
    %c0_i32_0 = arith.constant 0 : i32
    return %arg0, %c0_i32 : i32, i32
  }
}

</mosaic_0001>

<sc_bundles>
// kernel: kernel.6.cloned.1.call-start
scs
__scs_entry_jumppad:
0x0: {  	(pc) =	sbr.rel $0x88, $3  }
0x1: {  	(tag) =	ssettag $0x0;
	lr =	simm.s32 $0x1  }
0x2: {  	[smem:$0x3F9B] =	sst lr;
	_ =	strace $0xD0000000  }
0x3: {  	_ = 	snop  }
0x4: {  	_ = 	snop  }
0x5: {  	_ = 	snop  }
0x6: {  	_ = 	snop  }
0x7: {  	_ = 	snop  }
__scs_overlays_trampoline_lowered:
0x8: {  	[smem:$0x3FAA] =	sst s0  }
0x9: {  	[smem:$0x3FAB] =	sst s1  }
0xa: {  	[smem:$0x3FAC] =	sst s2  }
0xb: {  	[smem:$0x3FAD] =	sst s3  }
0xc: {  	[smem:$0x3FAE] =	sst s4  }
0xd: {  	[smem:$0x3FAF] =	sst s5  }
0xe: {  	[smem:$0x3FB0] =	sst s6  }
0xf: {  	[smem:$0x3FB1] =	sst s7  }
0x10: {  	[smem:$0x3FB2] =	sst s8  }
0x11: {  	[smem:$0x3FB3] =	sst s9;
	s0 =	simm.s32 @!p0 $0x0  }
0x12: {  	s1 =	sld [smem:$0x3F99];
	s0 =	simm.s32 @p0 $0x1  }
0x13: {  	[smem:$0x3FB4] =	sst s0;
	s0 =	simm.s32 @!p1 $0x0  }
0x14: {  	s2 =	sld [smem:$0x3F98];
	s0 =	simm.s32 @p1 $0x1  }
0x15: {  	[smem:$0x3FB5] =	sst s0;
	s0 =	simm.s32 @!p2 $0x0  }
0x16: {  	s3 =	sld [smem:$0x3FDB];
	s0 =	simm.s32 @p2 $0x1  }
0x17: {  	s4 =	simm.s32 $0x1BF5;
	[smem:$0x3FB7] =	sst s0  }
0x18: {  	s0 =	sld [smem:$0x3F9A];
	_ =	swait.ge [sflag:s4], $0x0  }
0x19: {  	s7 =	sld [smem:$0x3F9B]  }
0x1a: {  	s8 =	sadd.s32 $0xFFFFE003, lr  }
0x1b: {  	s9 =	sadd.s32 $0xFFFFFEF7, lr;
	s5 =	simm.s32 $0xFFFFFFFF;
	p2 =	slt.u32 s8, $0xFFFFF086  }
0x1c: {  	p1 =	slt.u32 s9, $0xF7A;
	s5 =	simm.s32 @!p2 $0x0  }
0x1d: {  	s5 =	simm.s32 @p1 $0x1;
	p0 =	seq.s32 s7, s2  }
0x1e: {  	s7 =	smul.u32 @!p0 $0xF7A, s2;
	p2 =	seq.s32 @!p0 s5, $0x0  }
0x1f: {  	s9 =	smul.u32 $0xF7A, s1;
	s8 =	simm.s32 @!p0 $0x1BF5;
	p2 =	por !p2, p0  }
0x20: {  	[sflag:s8] =	ssyncset.s32 @!p0 $0xFFFFF086;
	s6 =	sadd.s32 @!p0 s3, s7;
	s7 =	simm.s32 @!p0 $0x108  }
0x21: {  	s3 =	sadd.s32 s3, s9;
	s6 =	sadd.s32 @!p0 $0x88, s6;
	s7 =	simm.s32 @p2 $0x1082  }
0x22: {  	[simem:s7], [sflag:s8] =	dma.local @!p0 [hbm:s6], $0xF7A  }
0x23: {  	s9 =	sor.u32 $0xD0000000, s2;
	s6 =	simm.s32 $0x108;
	_ =	swait.ge @!p0 [sflag:s8], $0x0  }
0x24: {  	s3 =	sadd.s32 $0x88, s3;
	s6 =	simm.s32 @!p1 $0x1082;
	[sflag:s4] =	ssyncset.s32 $0xFFFFF086  }
0x25: {  	[simem:s6], [sflag:s4] =	dma.local [hbm:s3], $0xF7A  }
0x26: {  	[smem:$0x3F9B] =	sst s1;
	(tag) =	ssettag s2;
	_ =	strace s9  }
0x27: {  	s1 =	sld [smem:$0x3FAB]  }
0x28: {  	s2 =	sld [smem:$0x3FAC]  }
0x29: {  	s4 =	sld [smem:$0x3FAE]  }
0x2a: {  	p0 =	seq.s32 s5, $0x0;
	s5 =	sld [smem:$0x3FAF]  }
0x2b: {  	s6 =	sld [smem:$0x3FB0]  }
0x2c: {  	s7 =	sld [smem:$0x3FB1]  }
0x2d: {  	s3 =	simm.s32 $0x108;
	s8 =	sld [smem:$0x3FB2]  }
0x2e: {  	s3 =	simm.s32 @!p0 $0x1082;
	s9 =	sld [smem:$0x3FB3]  }
0x2f: {  	lr =	sadd.s32 s0, s3;
	s0 =	sld [smem:$0x3FAA]  }
0x30: {  	s3 =	sld [smem:$0x3FAD]  }
0x31: {  	[smem:$0x3FB6] =	sst s10  }
0x32: {  	s10 =	sld [smem:$0x3FB4];
	_ =	sdelay $0x3  }
0x33: {  	p0 =	seq.s32 s10, $0x1;
	s10 =	sld [smem:$0x3FB6];
	_ =	sdelay $0x3  }
0x34: {  	[smem:$0x3FB6] =	sst s10  }
0x35: {  	s10 =	sld [smem:$0x3FB5];
	_ =	sdelay $0x3  }
0x36: {  	p1 =	seq.s32 s10, $0x1;
	s10 =	sld [smem:$0x3FB6];
	_ =	sdelay $0x3  }
0x37: {  	[smem:$0x3FB6] =	sst s10  }
0x38: {  	s10 =	sld [smem:$0x3FB7]  }
0x39: {  	_ = 	snop;
	(pc) =	sbr.ind lr, $3  }
0x3a: {  	_ = 	snop  }
0x3b: {  	_ = 	snop  }
0x3c: {  	p2 =	seq.s32 s10, $0x1;
	s10 =	sld [smem:$0x3FB6]  }
0x3d: {  	_ =	shalt  }
0x3e: {  	_ =	shalt  }
0x3f: {  	_ =	shalt  }
0x40: {  	_ =	shalt  }
0x41: {  	_ =	shalt  }
0x42: {  	_ =	shalt  }
0x43: {  	_ =	shalt  }
0x44: {  	_ =	shalt  }
0x45: {  	_ =	shalt  }
0x46: {  	_ =	shalt  }
0x47: {  	_ =	shalt  }
0x48: {  	_ =	shalt  }
0x49: {  	_ =	shalt  }
0x4a: {  	_ =	shalt  }
0x4b: {  	_ =	shalt  }
0x4c: {  	_ =	shalt  }
0x4d: {  	_ =	shalt  }
0x4e: {  	_ =	shalt  }
0x4f: {  	_ =	shalt  }
0x50: {  	_ =	shalt  }
0x51: {  	_ =	shalt  }
0x52: {  	_ =	shalt  }
0x53: {  	_ =	shalt  }
0x54: {  	_ =	shalt  }
0x55: {  	_ =	shalt  }
0x56: {  	_ =	shalt  }
0x57: {  	_ =	shalt  }
0x58: {  	_ =	shalt  }
0x59: {  	_ =	shalt  }
0x5a: {  	_ =	shalt  }
0x5b: {  	_ =	shalt  }
0x5c: {  	_ =	shalt  }
0x5d: {  	_ =	shalt  }
0x5e: {  	_ =	shalt  }
0x5f: {  	_ =	shalt  }
0x60: {  	_ =	shalt  }
0x61: {  	_ =	shalt  }
0x62: {  	_ =	shalt  }
0x63: {  	_ =	shalt  }
0x64: {  	_ =	shalt  }
0x65: {  	_ =	shalt  }
0x66: {  	_ =	shalt  }
0x67: {  	_ =	shalt  }
0x68: {  	_ =	shalt  }
0x69: {  	_ =	shalt  }
0x6a: {  	_ =	shalt  }
0x6b: {  	_ =	shalt  }
0x6c: {  	_ =	shalt  }
0x6d: {  	_ =	shalt  }
0x6e: {  	_ =	shalt  }
0x6f: {  	_ =	shalt  }
0x70: {  	_ =	shalt  }
0x71: {  	_ =	shalt  }
0x72: {  	_ =	shalt  }
0x73: {  	_ =	shalt  }
0x74: {  	_ =	shalt  }
0x75: {  	_ =	shalt  }
0x76: {  	_ =	shalt  }
0x77: {  	_ =	shalt  }
0x78: {  	_ =	shalt  }
0x79: {  	_ =	shalt  }
0x7a: {  	_ =	shalt  }
0x7b: {  	_ =	shalt  }
0x7c: {  	_ =	shalt  }
0x7d: {  	_ =	shalt  }
0x7e: {  	_ =	shalt  }
0x7f: {  	_ =	shalt  }
0x80: {  	_ =	shalt  }
0x81: {  	_ =	shalt  }
0x82: {  	_ =	shalt  }
0x83: {  	_ =	shalt  }
0x84: {  	_ =	shalt  }
0x85: {  	_ =	shalt  }
0x86: {  	_ =	shalt  }
0x87: {  	_ =	shalt  }
.Lfunc_end0:
.L_simem_size_0:
called_computation_lowered:
.L_overlay_start_0:
0x88: {  	s2 =	sld [smem:$0x3FD9]  }
0x89: {  	s3 =	sld [smem:$0x3FFE];
	_ =	sdelay $0x1  }
0x8a: {  	s1 =	srdreg.scid  }
0x8b: {  	s0 =	sand.u32 $0x1, s1  }
0x8c: {  	s14 =	sshll.u32 s0, $0xA;
	s2 =	sadd.s32 s3, s2  }
0x8d: {  	s2 =	sadd.s32 s2, s14  }
0x8e: {  	[smem:$0x3FC2] =	sst s2  }
0x8f: {  	_ = 	snop  }
0x90: {  	s2 =	sld [smem:$0x3FD0];
	_ =	sdelay $0x2  }
0x91: {  	s15 =	simm.s32 $0xA;
	s4 =	simm.s32 $0x10  }
0x92: {  	[smem:s4], [sflag:s15] =	dma.local [hbm:s2], $0x1  }
0x93: {  	_ =	swait.eq [sflag:s15], $0x1  }
0x94: {  	[sflag:s15] =	ssyncset.done $0x0  }
0x95: {  	s16 =	sld [smem:$0x10];
	[sflag:s15] =	ssyncadd.s32 $0xFFFFFFFF  }
0x96: {  	s17 =	sld [smem:$0x11];
	(tm) =	ssettm $0x1  }
0x97: {  	s18 =	sld [smem:$0x3FFB];
	_ =	sdelay $0x3  }
0x98: {  	_ =	strace s18  }
0x99: {  	s4 =	sld [smem:$0x3FFC];
	_ =	sdelay $0x3  }
0x9a: {  	_ =	strace s4  }
0x9b: {  	s4 =	sld [smem:$0x3FFD];
	_ =	sdelay $0x3  }
0x9c: {  	_ =	strace s4  }
0x9d: {  	_ =	strace $0x8FFFFFFF  }
0x9e: {  	s19 =	sld [smem:$0x3FDB];
	_ =	sdelay $0x1  }
0x9f: {  	s5 =	simm.s32 $_scs_section_size  }
0xa0: {  	s6 =	simm.s32 $_size__tile_overlayer_lowered;
	s7 =	simm.s32 $_tile_overlayer_lowered  }
0xa1: {  	s22 =	simm.s32 $0x1BFF;
	s21 =	sshll.u32 s7, $0x1;
	s4 =	sadd.s32 s5, s19  }
0xa2: {  	s8 =	simm.s32 $0x0;
	s20 =	sshll.u32 s6, $0x1;
	s6 =	sadd.s32 s21, s4  }
0xa3: {  	[timem:s8], [sflag:s22] =	dma.local [hbm:s6], s20  }
0xa4: {  	_ =	swait.ge [sflag:s22], s20  }
0xa5: {  	s5 =	ssub.s32 $0x0, s20;
	[sflag:s22] =	ssyncset.done $0x0  }
0xa6: {  	[sflag:s22] =	ssyncadd.s32 s5;
	_ =	sdelay $0x1  }
0xa7: {  	s23 =	simm.s32 $0x1B8B  }
0xa8: {  	_ =	swait.ge [sflag:s23], $0x1  }
0xa9: {  	[sflag:s23] =	ssyncset.done $0x0  }
0xaa: {  	s25 =	simm.s32 $0x1B8E;
	s24 =	sld [smem:$0x3FFE];
	[sflag:s23] =	ssyncadd.s32 $0xFFFFFFFF  }
0xab: {  	s26 =	simm.s32 $execute0_lowered;
	[smem:$0x3FD2] =	sst s25  }
0xac: {  	s6 =	sshll.u32 s26, $0x1;
	_ =	strace $0x80000046;
	[dreg:$0x1] =	wrdreg $0xFFFFFFFF  }
0xad: {  	s28 =	simm.s32 $_size_execute0_lowered;
	s4 =	sadd.s32 s4, s6;
	[dreg:$0x0] =	wrdreg $0x0  }
0xae: {  	s6 =	sshll.u32 s28, $0x1;
	[dreg:$0x2] =	wrdreg s4  }
0xaf: {  	[dreg:$0x3] =	wrdreg s6  }
0xb0: {  	[dreg:$0x4] =	wrdreg $0xC0  }
0xb1: {  	_ =	task [dreg:s8], $0x5FFFF  }
0xb2: {  	[dreg:$0x1] =	wrdreg $0xFFFFFFFF  }
0xb3: {  	[dreg:$0x0] =	wrdreg $0x60  }
0xb4: {  	[dreg:$0x2] =	wrdreg s16  }
0xb5: {  	[dreg:$0x3] =	wrdreg s24  }
0xb6: {  	[dreg:$0x4] =	wrdreg s17  }
0xb7: {  	[dreg:$0x5] =	wrdreg $0x0  }
0xb8: {  	[dreg:$0x6] =	wrdreg $0x9  }
0xb9: {  	_ =	task.clear_ibuf [dreg:s8], $0x7FFFF;
	_ =	strace $0x90000046  }
0xba: {  	s29 =	simm.s32 $0x9;
	_ =	strace $0x8000004C  }
0xbb: {  	_ =	swait.ge [sflag:s29], $0x1  }
0xbc: {  	[sflag:s29] =	ssyncadd.s32 $0xFFFFFFFF  }
0xbd: {  	_ =	strace $0x9000004C  }
0xbe: {  	_ =	sfence  }
0xbf: {  	s30 =	sld [smem:$0x0];
	_ =	sdelay $0x2  }
0xc0: {  	s31 =	sshll.u32 s1, $0xD;
	s1 =	sshrl.u32 s1, $0x2  }
0xc1: {  	s3 =	sand.u32 $0x4000, s31;
	s1 =	sadd.s32 s1, s30  }
0xc2: {  	s0 =	sor.u32 s3, s0;
	s1 =	sshll.u32 s1, $0x11  }
0xc3: {  	s0 =	sor.u32 s1, s0  }
0xc4: {  	s0 =	sadd.s32 $0x8F2B, s0  }
0xc5: {  	[sflag:s0] =	ssyncadd.remote.s32 $0x1  }
0xc6: {  	_ =	sfence.sel $0xFFFF  }
0xc7: {  	[dreg:$0x0] =	wrdreg $0xFFFFFFFF;
	(pc) =	sbr.abs _section_cstart, $3  }
0xc8: {  	[dreg:$0x1] =	wrdreg $0xFFFFFFFF  }
0xc9: {  	_ =	task.clear_ibuf [dreg:s8], $0x2FFFF;
	_ =	strace $0x9FFFFFFF  }
0xca: {  	(tm) =	ssettm $0x7FFFFFFF  }
0xcb: {  	_ =	shalt  }
tec
execute0_lowered:
.L_overlay_start_1:
0x0: {  	(tag) =	ssettag $0x1  }
0x1: {  	s1 =	rddreg [dreg:$0x0]  }
0x2: {  	s6 =	rddreg [dreg:$0x1]  }
0x3: {  	s12 =	rddreg [dreg:$0x2]  }
0x4: {  	s2 =	rddreg [dreg:$0x3]  }
0x5: {  	s3 =	srdreg.scid;
	s0 =	rddreg [dreg:$0x4];
	s4 =	simm.s32 $0x0  }
0x6: {  	s16 =	simm.s32 $0x500;
	s17 =	simm.s32 $0x1880;
	s18 =	simm.s32 $0x3  }
0x7: {  	s9 =	sand.u32 $0x1, s3;
	s3 =	stileid.u32;
	[smem:$0x7FF] =	sst s4  }
0x8: {  	s11 =	sadd.s32 $0x33200, s6;
	s5 =	sshll.u32 s9, $0x4;
	s10 =	smul.u32 $0x1880, s3  }
0x9: {  	_ =	strace $0x80000047;
	s13 =	ssub.s32 $0x2, s9;
	s7 =	sor.u32 s3, s5  }
0xa: {  	s30 =	sshll.u32 s3, $0x6;
	s5 =	sadd.s32 $0x32E00, s6;
	s8 =	smul.u32 $0x27, s7  }
0xb: {  	s15 =	sshrl.u32 s13, $0x1;
	s14 =	smul.u32 $0x28, s7;
	p0 =	slt.u32 s7, $0x2  }
0xc: {  	s13 =	ssub.s32 s13, s15;
	s29 =	sadd.s32 s10, s2;
	s7 =	simm.s32 $0x28  }
0xd: {  	s31 =	sshrl.u32 s10, $0x3;
	s15 =	simm.s32 $0x1D80;
	s6 =	sadd.s32 $0x2, s8  }
0xe: {  	s7 =	simm.s32 @!p0 $0x27;
	s8 =	sor.u32 $0x1C01, s30;
	s6 =	smov.u32 @p0 s14  }
0xf: {  	s10 =	sadd.s32 $0xFFFFFFFF, s7;
	p0 =	seq.s32 s9, $0x1;
	s14 =	smul.u32 $0xA0, s6  }
0x10: {  	s12 =	smov.u32 @p0 s11;
	s11 =	smax.u32 s13, $0x1;
	s13 =	sshrl.u32 s29, $0x3  }
0x11: {  	v0 =	vimm.f32 $1.000000000e+00;
	s12 =	sadd.s32 s12, s31;
	s9 =	sadd.s32 s1, s14;
	s14 =	simm.s32 $0x1  }
.LBB2_1:
0x12: {  	[spmem:s13], [sflag:s8] =	dma.local [hbm:s5], $0x310  }
0x13: {  	_ =	swait.ge [sflag:s14], $0x310  }
0x14: {  	[sflag:s14] =	ssyncset.done $0x0  }
0x15: {  	s19 =	simm.s32 $0x40;
	s20 =	simm.s32 $0x0;
	[sflag:s14] =	ssyncadd.s32 $0xFFFFFCF0  }
.LBB2_2:
0x16: {  	p0 =	sne.s32 s19, $0x13C0;
	[tilespmem:s20+$0x1880] =	vst v0;
	s20 =	smov.u32 s19;
	s19 =	sadd.s32 $0x40, s19  }
.Ltmp0:
0x17: {  	(pc) =	sbr.rel @p0 .LBB2_2-.Ltmp0, $2  }
0x18: {  	_ =	sdelay $0x2  }
0x19: {  	s20 =	sshra.s32 s20, $0x2  }
0x1a: {  	s19 =	simm.s32 $0x0;
	p0 =	seq.s32 s7, $0x1  }
0x1b: {  	[tilespmem:s20+$0x1880] =	vst v0;
	s24 =	simm.s32 $0x1;
	s22 =	simm.s32 $0x1;
	s20 =	simm.s32 $0x1  }
0x1c: {  	p2 =	sne.s32 s10, $0x1;
	[bflag:$0x0] =	sbarrier.arrive $0xFFFF;
	s24 =	simm.s32 @p0 $0x0  }
.Ltmp1:
0x1d: {  	_ =	strace $0x80000048;
	p0 =	seq.s32 s24, $0x0;
	(pc) =	sbr.rel @!p2 .LBB2_4-.Ltmp1, $4  }
0x1e: {  	[tilespmem:s15], [sflag:$0x1] =	stream.linear.gather [hbm4b:s9+s19], $0x500, $0x200038;
	[tilespmem:$0x2780] =	vst v63  }
0x1f: {  	s21 =	simm.s32 $0x1;
	p1 =	sne.s32 s24, $0x0;
	s28 =	sand.u32 @!p0 $0x1, s22  }
0x20: {  	s23 =	sadd.s32 @!p0 s6, s24;
	s21 =	simm.s32 @!p1 $0x0;
	p1 =	por $0x0, $0x0  }
0x21: {  	_ =	strace $0x90000048;
	s25 =	sadd.s32 @!p0 $0x1, s28;
	s29 =	smul.u32 @!p0 $0x500, s23  }
0x22: {  	s20 =	smul.u32 @!p0 $0x1400, s28;
	s19 =	sand.u32 $0x1, s19;
	_ =	strace @!p0 $0x80000049  }
0x23: {  	s23 =	simm.s32 @!p0 $0x0;
	p2 =	sne.s32 s10, $0x2;
	s26 =	simm.s32 $0x2280  }
0x24: {  	s22 =	sshrl.u32 @!p0 s29, $0x3;
	p1 =	seq.s32 s19, $0x1;
	s20 =	sshrl.u32 @!p0 s20, $0x2  }
0x25: {  	s31 =	sadd.s32 $0x1, s19;
	s22 =	sadd.s32 @!p0 s1, s22;
	s20 =	sadd.s32 @!p0 $0x1D80, s20  }
0x26: {  	[tilespmem:s20], [sflag:s25] =	stream.linear.gather @!p0 [hbm4b:s22+s23], $0x500, $0x200038;
	[tilespmem:$0x2780] =	vst v63  }
0x27: {  	s19 =	sadd.s32 $0x0, s21;
	s26 =	simm.s32 @!p1 $0x1D80;
	s20 =	simm.s32 $0x2  }
0x28: {  	s23 =	sadd.s32 $0x1, s24;
	s22 =	sadd.s32 $0x1, s21;
	_ =	strace @!p0 $0x90000049  }
0x29: {  	s21 =	simm.s32 $0x1;
	p0 =	seq.s32 s23, s7;
	_ =	strace $0x8000004A  }
.Ltmp2:
0x2a: {  	s23 =	simm.s32 @p0 $0x0;
	_ =	swait.ge [sflag:s31], $0x500;
	(pc) =	sbr.rel @!p2 .LBB2_6-.Ltmp2, $4  }
0x2b: {  	p0 =	seq.s32 s24, s23;
	p1 =	sne.s32 s24, s23;
	[sflag:s31] =	ssyncset.done $0x0  }
0x2c: {  	s28 =	sand.u32 @!p0 $0x1, s22;
	s24 =	sadd.s32 @!p0 s6, s23;
	[sflag:s31] =	ssyncadd.s32 $0xFFFFFB00  }
0x2d: {  	s21 =	simm.s32 @!p1 $0x0;
	p1 =	por $0x1, $0x1;
	_ =	strace $0x9000004A  }
0x2e: {  	s25 =	sadd.s32 @!p0 $0x1, s28;
	s29 =	smul.u32 @!p0 $0x500, s24;
	_ =	strace $0x8000004B  }
.LBB2_7:
0x2f: {  	[spmem:s2] =	stream.indirect.scatter.add.f32 [tilespmem:s17], [sflag:$0x3], $0x1, s26, s16, $0x2000b8;
	[tilespmem:$0x2780] =	vst v63  }
0x30: {  	s24 =	smul.u32 @!p0 $0x1400, s28;
	s26 =	sand.u32 $0x1, s19;
	_ =	swait.ge [sflag:s18], $0x500  }
0x31: {  	s28 =	sshrl.u32 @!p0 s29, $0x3;
	p3 =	seq.s32 s26, $0x1;
	[sflag:s18] =	ssyncset.done $0x0  }
0x32: {  	s28 =	sadd.s32 @!p0 s1, s28;
	s24 =	sshrl.u32 @!p0 s24, $0x2;
	[sflag:s18] =	ssyncadd.s32 $0xFFFFFB00  }
0x33: {  	s20 =	sadd.s32 $0x1, s20;
	s24 =	sadd.s32 @!p0 $0x1D80, s24;
	_ =	strace $0x9000004B  }
0x34: {  	s29 =	simm.s32 @!p0 $0x0;
	p2 =	sne.s32 s10, s20;
	_ =	strace @!p0 $0x80000049  }
0x35: {  	[tilespmem:s24], [sflag:s25] =	stream.linear.gather @!p0 [hbm4b:s28+s29], $0x500, $0x200038;
	[tilespmem:$0x2780] =	vst v63  }
0x36: {  	s19 =	sadd.s32 s21, s19;
	s24 =	smov.u32 s23  }
0x37: {  	s25 =	sadd.s32 $0x1, s26;
	s26 =	simm.s32 $0x2280;
	_ =	strace @!p0 $0x90000049  }
0x38: {  	s23 =	sadd.s32 $0x1, s23;
	s26 =	simm.s32 @!p3 $0x1D80;
	_ =	strace $0x8000004A  }
0x39: {  	s22 =	sadd.s32 s21, s22;
	p0 =	seq.s32 s23, s7;
	_ =	swait.ge [sflag:s25], $0x500  }
.Ltmp3:
0x3a: {  	s23 =	simm.s32 @p0 $0x0;
	[sflag:s25] =	ssyncset.done $0x0;
	(pc) =	sbr.rel @p2 .LBB2_7-.Ltmp3, $4  }
0x3b: {  	p0 =	seq.s32 s24, s23;
	p3 =	sne.s32 s24, s23;
	[sflag:s25] =	ssyncadd.s32 $0xFFFFFB00  }
0x3c: {  	s28 =	sand.u32 @!p0 $0x1, s22;
	s21 =	sadd.s32 @!p0 s6, s23;
	_ =	strace $0x9000004A  }
0x3d: {  	s29 =	smul.u32 @!p0 $0x500, s21;
	s21 =	simm.s32 $0x1;
	_ =	strace $0x8000004B  }
0x3e: {  	s25 =	sadd.s32 @!p0 $0x1, s28;
	s21 =	simm.s32 @!p3 $0x0  }
0x3f: {  	s24 =	smov.u32 s23  }
.LBB2_9:
0x40: {  	[spmem:s2] =	stream.indirect.scatter.add.f32 @p1 [tilespmem:s17], [sflag:$0x3], $0x1, s26, s16, $0x2000b8;
	[tilespmem:$0x2780] =	vst v63  }
0x41: {  	_ =	swait.ge @p1 [sflag:s18], $0x500  }
0x42: {  	s23 =	smul.u32 @!p0 $0x1400, s28;
	[sflag:s18] =	ssyncset.done @p1 $0x0  }
0x43: {  	s26 =	sshrl.u32 @!p0 s29, $0x3;
	[sflag:s18] =	ssyncadd.s32 @p1 $0xFFFFFB00  }
0x44: {  	s28 =	simm.s32 @!p0 $0x0;
	s23 =	sshrl.u32 @!p0 s23, $0x2;
	_ =	strace @p1 $0x9000004B  }
0x45: {  	s26 =	sadd.s32 @!p0 s1, s26;
	s23 =	sadd.s32 @!p0 $0x1D80, s23;
	_ =	strace @!p0 $0x80000049  }
0x46: {  	[tilespmem:s23], [sflag:s25] =	stream.linear.gather @!p0 [hbm4b:s26+s28], $0x500, $0x200038;
	[tilespmem:$0x2780] =	vst v63  }
0x47: {  	s28 =	sand.u32 $0x1, s19;
	_ =	strace @!p0 $0x90000049  }
0x48: {  	s29 =	sadd.s32 $0x1, s28;
	_ =	strace $0x8000004A  }
0x49: {  	_ =	swait.ge [sflag:s29], $0x500  }
0x4a: {  	[sflag:s29] =	ssyncset.done $0x0  }
0x4b: {  	[sflag:s29] =	ssyncadd.s32 $0xFFFFFB00  }
0x4c: {  	s23 =	simm.s32 $0x2280;
	p0 =	seq.s32 s28, $0x1;
	_ =	strace $0x9000004A  }
0x4d: {  	s23 =	simm.s32 @!p0 $0x1D80;
	_ =	strace $0x8000004B  }
0x4e: {  	[spmem:s2] =	stream.indirect.scatter.add.f32 [tilespmem:s17], [sflag:$0x3], $0x1, s23, s16, $0x2000b8;
	[tilespmem:$0x2780] =	vst v63  }
0x4f: {  	s23 =	sadd.s32 $0x1, s24  }
0x50: {  	p0 =	seq.s32 s23, s7  }
0x51: {  	s23 =	simm.s32 @p0 $0x0;
	p0 =	sge.u32 s20, s10  }
0x52: {  	p1 =	seq.s32 @!p0 s24, s23  }
0x53: {  	_ =	swait.ge [sflag:s18], $0x500;
	s20 =	sadd.s32 s21, s22;
	p0 =	por p1, p0  }
0x54: {  	[sflag:s18] =	ssyncset.done $0x0;
	s20 =	sand.u32 @!p0 $0x1, s20  }
0x55: {  	[sflag:s18] =	ssyncadd.s32 $0xFFFFFB00;
	s23 =	sadd.s32 @!p0 s6, s23;
	s22 =	smul.u32 @!p0 $0x1400, s20  }
0x56: {  	_ =	strace $0x9000004B;
	s23 =	smul.u32 @!p0 $0x500, s23  }
0x57: {  	s30 =	sadd.s32 s21, s19;
	_ =	strace @!p0 $0x80000049  }
0x58: {  	s20 =	sadd.s32 @!p0 $0x1, s20;
	s21 =	sshrl.u32 @!p0 s22, $0x2;
	s22 =	sshrl.u32 @!p0 s23, $0x3  }
0x59: {  	s23 =	simm.s32 @!p0 $0x0;
	s21 =	sadd.s32 @!p0 $0x1D80, s21;
	s22 =	sadd.s32 @!p0 s1, s22  }
0x5a: {  	[tilespmem:s21], [sflag:s20] =	stream.linear.gather @!p0 [hbm4b:s22+s23], $0x500, $0x200038;
	[tilespmem:$0x2780] =	vst v63  }
0x5b: {  	s19 =	sand.u32 $0x1, s30;
	_ =	strace @!p0 $0x90000049  }
0x5c: {  	s31 =	sadd.s32 $0x1, s19;
	_ =	strace $0x8000004A  }
0x5d: {  	_ =	swait.ge [sflag:s31], $0x500  }
0x5e: {  	[sflag:s31] =	ssyncset.done $0x0  }
0x5f: {  	[sflag:s31] =	ssyncadd.s32 $0xFFFFFB00  }
0x60: {  	p0 =	seq.s32 s19, $0x1;
	s19 =	simm.s32 $0x2280;
	_ =	strace $0x9000004A  }
0x61: {  	s19 =	simm.s32 @!p0 $0x1D80;
	_ =	strace $0x8000004B  }
0x62: {  	[spmem:s2] =	stream.indirect.scatter.add.f32 [tilespmem:s17], [sflag:$0x3], $0x1, s19, s16, $0x2000b8;
	[tilespmem:$0x2780] =	vst v63  }
0x63: {  	_ =	swait.ge [sflag:s18], $0x500  }
0x64: {  	[sflag:s18] =	ssyncset.done $0x0  }
0x65: {  	[sflag:s18] =	ssyncadd.s32 $0xFFFFFB00  }
0x66: {  	s4 =	sadd.s32 $0x1, s4;
	_ =	strace $0x9000004B  }
0x67: {  	p0 =	sne.s32 s4, s11;
	[bflag:$0x0] =	sbarrier.arrive $0xFFFF  }
0x68: {  	[hbm:s12], [sflag:s8] =	dma.local [spmem:s13], $0x310  }
.Ltmp4:
0x69: {  	_ = 	snop;
	(pc) =	sbr.rel @p0 .LBB2_1-.Ltmp4, $4  }
.Ltmp5:
0x6a: {  	_ = 	snop;
	(pc) =	sbr.rel @!p0 .LBB2_10-.Ltmp5, $4  }
0x6b: {  	_ =	swait.ge [sflag:s14], $0x310  }
0x6c: {  	[sflag:s14] =	ssyncset.done $0x0  }
0x6d: {  	[sflag:s14] =	ssyncadd.s32 $0xFFFFFCF0  }
0x6e: {  	_ = 	snop  }
.LBB2_4:
.Ltmp6:
0x6f: {  	(pc) =	sbr.rel .LBB2_9-.Ltmp6, $2  }
0x70: {  	_ =	sdelay $0x2  }
0x71: {  	_ = 	snop  }
.LBB2_6:
.Ltmp7:
0x72: {  	(pc) =	sbr.rel .LBB2_9-.Ltmp7, $2  }
0x73: {  	_ =	sdelay $0x2  }
0x74: {  	s24 =	smov.u32 s23  }
.LBB2_10:
0x75: {  	_ =	sfence.sel $0x180000  }
0x76: {  	[bflag:$0x0] =	sbarrier.arrive $0xFFFF  }
0x77: {  	p0 =	sne.s32 s3, $0x0;
	_ =	strace $0x90000047  }
0x78: {  	s0 =	sadd.s32 @!p0 $0x100000, s0;
	[bflag:$0x2] =	sbarrier.arrive $0xFFFF  }
0x79: {  	[sflag:s0] =	ssyncadd.tile.s32 @!p0 $0x1;
	_ =	shalt  }
.Lfunc_end2:
_tile_overlayer_lowered:
.L_overlay_start_2:
0x7a: {  	(tag) =	ssettag $0x2  }
0x7b: {  	s0 =	rddreg [dreg:$0x0];
	s2 =	stileid.u32  }
0x7c: {  	s1 =	rddreg [dreg:$0x1];
	p0 =	sne.s32 s2, $0x0  }
0x7d: {  	s3 =	rddreg [dreg:$0x2];
	[bflag:$0x3] =	sbarrier.arrive $0xFFFF;
	s2 =	simm.s32 @!p0 $0x1C01  }
0x7e: {  	[timem:s3], [sflag:s2] =	dma.local @!p0 [hbm:s0], s1  }
0x7f: {  	s0 =	simm.s32 @!p0 $0x1  }
0x80: {  	_ =	swait.ge @!p0 [sflag:s0], s1  }
0x81: {  	s1 =	ssub.s32 @!p0 $0x0, s1;
	[sflag:s0] =	ssyncset.done @!p0 $0x0  }
0x82: {  	[sflag:s0] =	ssyncadd.s32 @!p0 s1  }
0x83: {  	[bflag:$0x3] =	sbarrier.arrive $0xFFFF  }
0x84: {  	_ =	shalt  }

// kernel: kernel.9.cloned.1.call-start
scs
__scs_entry_jumppad:
0x0: {  	(pc) =	sbr.rel $0x88, $3  }
0x1: {  	(tag) =	ssettag $0x0;
	lr =	simm.s32 $0x1  }
0x2: {  	[smem:$0x3F9B] =	sst lr;
	_ =	strace $0xD0000000  }
0x3: {  	_ = 	snop  }
0x4: {  	_ = 	snop  }
0x5: {  	_ = 	snop  }
0x6: {  	_ = 	snop  }
0x7: {  	_ = 	snop  }
__scs_overlays_trampoline_lowered:
0x8: {  	[smem:$0x3FAA] =	sst s0  }
0x9: {  	[smem:$0x3FAB] =	sst s1  }
0xa: {  	[smem:$0x3FAC] =	sst s2  }
0xb: {  	[smem:$0x3FAD] =	sst s3  }
0xc: {  	[smem:$0x3FAE] =	sst s4  }
0xd: {  	[smem:$0x3FAF] =	sst s5  }
0xe: {  	[smem:$0x3FB0] =	sst s6  }
0xf: {  	[smem:$0x3FB1] =	sst s7  }
0x10: {  	[smem:$0x3FB2] =	sst s8  }
0x11: {  	[smem:$0x3FB3] =	sst s9;
	s0 =	simm.s32 @!p0 $0x0  }
0x12: {  	s1 =	sld [smem:$0x3F99];
	s0 =	simm.s32 @p0 $0x1  }
0x13: {  	[smem:$0x3FB4] =	sst s0;
	s0 =	simm.s32 @!p1 $0x0  }
0x14: {  	s2 =	sld [smem:$0x3F98];
	s0 =	simm.s32 @p1 $0x1  }
0x15: {  	[smem:$0x3FB5] =	sst s0;
	s0 =	simm.s32 @!p2 $0x0  }
0x16: {  	s3 =	sld [smem:$0x3FDB];
	s0 =	simm.s32 @p2 $0x1  }
0x17: {  	s4 =	simm.s32 $0x1BF5;
	[smem:$0x3FB7] =	sst s0  }
0x18: {  	s0 =	sld [smem:$0x3F9A];
	_ =	swait.ge [sflag:s4], $0x0  }
0x19: {  	s7 =	sld [smem:$0x3F9B]  }
0x1a: {  	s8 =	sadd.s32 $0xFFFFE003, lr  }
0x1b: {  	s9 =	sadd.s32 $0xFFFFFEF7, lr;
	s5 =	simm.s32 $0xFFFFFFFF;
	p2 =	slt.u32 s8, $0xFFFFF086  }
0x1c: {  	p1 =	slt.u32 s9, $0xF7A;
	s5 =	simm.s32 @!p2 $0x0  }
0x1d: {  	s5 =	simm.s32 @p1 $0x1;
	p0 =	seq.s32 s7, s2  }
0x1e: {  	s7 =	smul.u32 @!p0 $0xF7A, s2;
	p2 =	seq.s32 @!p0 s5, $0x0  }
0x1f: {  	s9 =	smul.u32 $0xF7A, s1;
	s8 =	simm.s32 @!p0 $0x1BF5;
	p2 =	por !p2, p0  }
0x20: {  	[sflag:s8] =	ssyncset.s32 @!p0 $0xFFFFF086;
	s6 =	sadd.s32 @!p0 s3, s7;
	s7 =	simm.s32 @!p0 $0x108  }
0x21: {  	s3 =	sadd.s32 s3, s9;
	s6 =	sadd.s32 @!p0 $0x88, s6;
	s7 =	simm.s32 @p2 $0x1082  }
0x22: {  	[simem:s7], [sflag:s8] =	dma.local @!p0 [hbm:s6], $0xF7A  }
0x23: {  	s9 =	sor.u32 $0xD0000000, s2;
	s6 =	simm.s32 $0x108;
	_ =	swait.ge @!p0 [sflag:s8], $0x0  }
0x24: {  	s3 =	sadd.s32 $0x88, s3;
	s6 =	simm.s32 @!p1 $0x1082;
	[sflag:s4] =	ssyncset.s32 $0xFFFFF086  }
0x25: {  	[simem:s6], [sflag:s4] =	dma.local [hbm:s3], $0xF7A  }
0x26: {  	[smem:$0x3F9B] =	sst s1;
	(tag) =	ssettag s2;
	_ =	strace s9  }
0x27: {  	s1 =	sld [smem:$0x3FAB]  }
0x28: {  	s2 =	sld [smem:$0x3FAC]  }
0x29: {  	s4 =	sld [smem:$0x3FAE]  }
0x2a: {  	p0 =	seq.s32 s5, $0x0;
	s5 =	sld [smem:$0x3FAF]  }
0x2b: {  	s6 =	sld [smem:$0x3FB0]  }
0x2c: {  	s7 =	sld [smem:$0x3FB1]  }
0x2d: {  	s3 =	simm.s32 $0x108;
	s8 =	sld [smem:$0x3FB2]  }
0x2e: {  	s3 =	simm.s32 @!p0 $0x1082;
	s9 =	sld [smem:$0x3FB3]  }
0x2f: {  	lr =	sadd.s32 s0, s3;
	s0 =	sld [smem:$0x3FAA]  }
0x30: {  	s3 =	sld [smem:$0x3FAD]  }
0x31: {  	[smem:$0x3FB6] =	sst s10  }
0x32: {  	s10 =	sld [smem:$0x3FB4];
	_ =	sdelay $0x3  }
0x33: {  	p0 =	seq.s32 s10, $0x1;
	s10 =	sld [smem:$0x3FB6];
	_ =	sdelay $0x3  }
0x34: {  	[smem:$0x3FB6] =	sst s10  }
0x35: {  	s10 =	sld [smem:$0x3FB5];
	_ =	sdelay $0x3  }
0x36: {  	p1 =	seq.s32 s10, $0x1;
	s10 =	sld [smem:$0x3FB6];
	_ =	sdelay $0x3  }
0x37: {  	[smem:$0x3FB6] =	sst s10  }
0x38: {  	s10 =	sld [smem:$0x3FB7]  }
0x39: {  	_ = 	snop;
	(pc) =	sbr.ind lr, $3  }
0x3a: {  	_ = 	snop  }
0x3b: {  	_ = 	snop  }
0x3c: {  	p2 =	seq.s32 s10, $0x1;
	s10 =	sld [smem:$0x3FB6]  }
0x3d: {  	_ =	shalt  }
0x3e: {  	_ =	shalt  }
0x3f: {  	_ =	shalt  }
0x40: {  	_ =	shalt  }
0x41: {  	_ =	shalt  }
0x42: {  	_ =	shalt  }
0x43: {  	_ =	shalt  }
0x44: {  	_ =	shalt  }
0x45: {  	_ =	shalt  }
0x46: {  	_ =	shalt  }
0x47: {  	_ =	shalt  }
0x48: {  	_ =	shalt  }
0x49: {  	_ =	shalt  }
0x4a: {  	_ =	shalt  }
0x4b: {  	_ =	shalt  }
0x4c: {  	_ =	shalt  }
0x4d: {  	_ =	shalt  }
0x4e: {  	_ =	shalt  }
0x4f: {  	_ =	shalt  }
0x50: {  	_ =	shalt  }
0x51: {  	_ =	shalt  }
0x52: {  	_ =	shalt  }
0x53: {  	_ =	shalt  }
0x54: {  	_ =	shalt  }
0x55: {  	_ =	shalt  }
0x56: {  	_ =	shalt  }
0x57: {  	_ =	shalt  }
0x58: {  	_ =	shalt  }
0x59: {  	_ =	shalt  }
0x5a: {  	_ =	shalt  }
0x5b: {  	_ =	shalt  }
0x5c: {  	_ =	shalt  }
0x5d: {  	_ =	shalt  }
0x5e: {  	_ =	shalt  }
0x5f: {  	_ =	shalt  }
0x60: {  	_ =	shalt  }
0x61: {  	_ =	shalt  }
0x62: {  	_ =	shalt  }
0x63: {  	_ =	shalt  }
0x64: {  	_ =	shalt  }
0x65: {  	_ =	shalt  }
0x66: {  	_ =	shalt  }
0x67: {  	_ =	shalt  }
0x68: {  	_ =	shalt  }
0x69: {  	_ =	shalt  }
0x6a: {  	_ =	shalt  }
0x6b: {  	_ =	shalt  }
0x6c: {  	_ =	shalt  }
0x6d: {  	_ =	shalt  }
0x6e: {  	_ =	shalt  }
0x6f: {  	_ =	shalt  }
0x70: {  	_ =	shalt  }
0x71: {  	_ =	shalt  }
0x72: {  	_ =	shalt  }
0x73: {  	_ =	shalt  }
0x74: {  	_ =	shalt  }
0x75: {  	_ =	shalt  }
0x76: {  	_ =	shalt  }
0x77: {  	_ =	shalt  }
0x78: {  	_ =	shalt  }
0x79: {  	_ =	shalt  }
0x7a: {  	_ =	shalt  }
0x7b: {  	_ =	shalt  }
0x7c: {  	_ =	shalt  }
0x7d: {  	_ =	shalt  }
0x7e: {  	_ =	shalt  }
0x7f: {  	_ =	shalt  }
0x80: {  	_ =	shalt  }
0x81: {  	_ =	shalt  }
0x82: {  	_ =	shalt  }
0x83: {  	_ =	shalt  }
0x84: {  	_ =	shalt  }
0x85: {  	_ =	shalt  }
0x86: {  	_ =	shalt  }
0x87: {  	_ =	shalt  }
.Lfunc_end0:
.L_simem_size_0:
called_computation.1_lowered:
.L_overlay_start_0:
0x88: {  	s2 =	sld [smem:$0x3FD9]  }
0x89: {  	s3 =	sld [smem:$0x3FFE];
	_ =	sdelay $0x1  }
0x8a: {  	s1 =	srdreg.scid  }
0x8b: {  	s0 =	sand.u32 $0x1, s1  }
0x8c: {  	s14 =	sshll.u32 s0, $0xA;
	s2 =	sadd.s32 s3, s2  }
0x8d: {  	s2 =	sadd.s32 s2, s14  }
0x8e: {  	[smem:$0x3FC2] =	sst s2  }
0x8f: {  	_ = 	snop  }
0x90: {  	s2 =	sld [smem:$0x3FD0];
	_ =	sdelay $0x2  }
0x91: {  	s15 =	simm.s32 $0xA;
	s4 =	simm.s32 $0x10  }
0x92: {  	[smem:s4], [sflag:s15] =	dma.local [hbm:s2], $0x1  }
0x93: {  	_ =	swait.eq [sflag:s15], $0x1  }
0x94: {  	[sflag:s15] =	ssyncset.done $0x0  }
0x95: {  	s16 =	sld [smem:$0x10];
	[sflag:s15] =	ssyncadd.s32 $0xFFFFFFFF  }
0x96: {  	s17 =	sld [smem:$0x11];
	(tm) =	ssettm $0x1  }
0x97: {  	s18 =	sld [smem:$0x3FFB];
	_ =	sdelay $0x3  }
0x98: {  	_ =	strace s18  }
0x99: {  	s4 =	sld [smem:$0x3FFC];
	_ =	sdelay $0x3  }
0x9a: {  	_ =	strace s4  }
0x9b: {  	s4 =	sld [smem:$0x3FFD];
	_ =	sdelay $0x3  }
0x9c: {  	_ =	strace s4  }
0x9d: {  	_ =	strace $0x8FFFFFFF  }
0x9e: {  	s19 =	sld [smem:$0x3FDB];
	_ =	sdelay $0x1  }
0x9f: {  	s5 =	simm.s32 $_scs_section_size  }
0xa0: {  	s6 =	simm.s32 $_size__tile_overlayer_lowered;
	s7 =	simm.s32 $_tile_overlayer_lowered  }
0xa1: {  	s22 =	simm.s32 $0x1BFF;
	s21 =	sshll.u32 s7, $0x1;
	s4 =	sadd.s32 s5, s19  }
0xa2: {  	s8 =	simm.s32 $0x0;
	s20 =	sshll.u32 s6, $0x1;
	s6 =	sadd.s32 s21, s4  }
0xa3: {  	[timem:s8], [sflag:s22] =	dma.local [hbm:s6], s20  }
0xa4: {  	_ =	swait.ge [sflag:s22], s20  }
0xa5: {  	s5 =	ssub.s32 $0x0, s20;
	[sflag:s22] =	ssyncset.done $0x0  }
0xa6: {  	[sflag:s22] =	ssyncadd.s32 s5;
	_ =	sdelay $0x1  }
0xa7: {  	s23 =	simm.s32 $0x1B8B  }
0xa8: {  	_ =	swait.ge [sflag:s23], $0x1  }
0xa9: {  	[sflag:s23] =	ssyncset.done $0x0  }
0xaa: {  	s25 =	simm.s32 $0x1B8E;
	s24 =	sld [smem:$0x3FFE];
	[sflag:s23] =	ssyncadd.s32 $0xFFFFFFFF  }
0xab: {  	s26 =	simm.s32 $execute0_lowered;
	[smem:$0x3FD2] =	sst s25  }
0xac: {  	s6 =	sshll.u32 s26, $0x1;
	_ =	strace $0x8000004D;
	[dreg:$0x1] =	wrdreg $0xFFFFFFFF  }
0xad: {  	s28 =	simm.s32 $_size_execute0_lowered;
	s4 =	sadd.s32 s4, s6;
	[dreg:$0x0] =	wrdreg $0x0  }
0xae: {  	s6 =	sshll.u32 s28, $0x1;
	[dreg:$0x2] =	wrdreg s4  }
0xaf: {  	[dreg:$0x3] =	wrdreg s6  }
0xb0: {  	[dreg:$0x4] =	wrdreg $0xC0  }
0xb1: {  	_ =	task [dreg:s8], $0x5FFFF  }
0xb2: {  	[dreg:$0x1] =	wrdreg $0xFFFFFFFF  }
0xb3: {  	[dreg:$0x0] =	wrdreg $0x60  }
0xb4: {  	[dreg:$0x2] =	wrdreg s24  }
0xb5: {  	[dreg:$0x3] =	wrdreg s16  }
0xb6: {  	[dreg:$0x4] =	wrdreg s17  }
0xb7: {  	[dreg:$0x5] =	wrdreg $0x0  }
0xb8: {  	[dreg:$0x6] =	wrdreg $0x9  }
0xb9: {  	_ =	task.clear_ibuf [dreg:s8], $0x7FFFF;
	_ =	strace $0x9000004D  }
0xba: {  	s29 =	simm.s32 $0x9;
	_ =	strace $0x80000055  }
0xbb: {  	_ =	swait.ge [sflag:s29], $0x1  }
0xbc: {  	[sflag:s29] =	ssyncadd.s32 $0xFFFFFFFF  }
0xbd: {  	_ =	strace $0x90000055  }
0xbe: {  	_ =	sfence  }
0xbf: {  	s30 =	sld [smem:$0x0];
	_ =	sdelay $0x2  }
0xc0: {  	s31 =	sshll.u32 s1, $0xD;
	s1 =	sshrl.u32 s1, $0x2  }
0xc1: {  	s3 =	sand.u32 $0x4000, s31;
	s1 =	sadd.s32 s1, s30  }
0xc2: {  	s0 =	sor.u32 s3, s0;
	s1 =	sshll.u32 s1, $0x11  }
0xc3: {  	s0 =	sor.u32 s1, s0  }
0xc4: {  	s0 =	sadd.s32 $0x8F2B, s0  }
0xc5: {  	[sflag:s0] =	ssyncadd.remote.s32 $0x1  }
0xc6: {  	_ =	sfence.sel $0xFFFF  }
0xc7: {  	[dreg:$0x0] =	wrdreg $0xFFFFFFFF;
	(pc) =	sbr.abs _section_cstart, $3  }
0xc8: {  	[dreg:$0x1] =	wrdreg $0xFFFFFFFF  }
0xc9: {  	_ =	task.clear_ibuf [dreg:s8], $0x2FFFF;
	_ =	strace $0x9FFFFFFF  }
0xca: {  	(tm) =	ssettm $0x7FFFFFFF  }
0xcb: {  	_ =	shalt  }
tec
execute0_lowered:
.L_overlay_start_1:
0x0: {  	(tag) =	ssettag $0x1  }
0x1: {  	s0 =	rddreg [dreg:$0x0]  }
0x2: {  	s1 =	rddreg [dreg:$0x1]  }
0x3: {  	s3 =	rddreg [dreg:$0x3];
	s2 =	srdreg.scid  }
0x4: {  	s12 =	simm.s32 $0x0;
	s5 =	stileid.u32;
	s19 =	simm.s32 $0x500  }
0x5: {  	s20 =	simm.s32 $0x18800;
	s21 =	simm.s32 $0x5;
	s7 =	smul.u32 $0xC4000, s5  }
0x6: {  	s22 =	simm.s32 $0x1;
	s2 =	sand.u32 $0x1, s2;
	s9 =	smul.u32 $0x62000, s5  }
0x7: {  	[smem:$0x7FF] =	sst s12;
	s6 =	sadd.s32 $0x2000, s0;
	s4 =	smul.u32 $0xC40000, s2  }
0x8: {  	s26 =	sshll.u32 s5, $0x6;
	_ =	strace $0x8000004E;
	s8 =	sshll.u32 s2, $0x4  }
0x9: {  	s2 =	ssub.s32 $0x2, s2;
	s8 =	sor.u32 s5, s8;
	s4 =	sadd.s32 s7, s4  }
0xa: {  	s11 =	sshrl.u32 s2, $0x1;
	s10 =	smul.u32 $0x27, s8;
	s4 =	sshrl.u32 s4, $0x3  }
0xb: {  	s7 =	sadd.s32 $0x1BCE00, s0;
	s0 =	sadd.s32 s4, s0;
	s4 =	smul.u32 $0x28, s8  }
0xc: {  	s25 =	sshrl.u32 s9, $0x2;
	p0 =	slt.u32 s8, $0x2;
	s8 =	sadd.s32 $0x2, s10  }
0xd: {  	s9 =	simm.s32 $0x28;
	s2 =	ssub.s32 s2, s11;
	s8 =	smov.u32 @p0 s4  }
0xe: {  	s16 =	sadd.s32 s25, s3;
	s31 =	smax.u32 s2, $0x1;
	s28 =	smul.u32 $0xA0, s8  }
0xf: {  	s25 =	simm.s32 $0x0;
	[dreg:$0x8] =	wrdreg s31;
	s0 =	sadd.s32 $0x344E00, s0  }
0x10: {  	s9 =	simm.s32 @!p0 $0x27;
	[dreg:$0x7] =	wrdreg s0;
	s29 =	sadd.s32 s6, s28  }
0x11: {  	s16 =	sshrl.u32 s16, $0x3;
	s30 =	sadd.s32 s1, s28;
	[dreg:$0x5] =	wrdreg s29  }
0x12: {  	s10 =	sor.u32 $0x1C01, s26;
	s13 =	sadd.s32 $0xFFFFFFFF, s9;
	[dreg:$0x6] =	wrdreg s30  }
.LBB2_1:
0x13: {  	s0 =	rddreg [dreg:$0x2]  }
0x14: {  	[spmem:s16], [sflag:s10] =	dma.local [hbm:s0], $0x3100  }
0x15: {  	s2 =	simm.s32 $0x1D800;
	_ =	swait.ge [sflag:s22], $0x3100  }
0x16: {  	s29 =	simm.s32 $0x1E200;
	p0 =	seq.s32 s9, $0x1;
	[sflag:s22] =	ssyncset.done $0x0  }
0x17: {  	s18 =	simm.s32 $0x1;
	s30 =	simm.s32 $0x1;
	[sflag:s22] =	ssyncadd.s32 $0xFFFFCF00  }
0x18: {  	p2 =	sne.s32 s13, $0x1;
	s18 =	simm.s32 @p0 $0x0;
	[bflag:$0x0] =	sbarrier.arrive $0xFFFF  }
0x19: {  	s31 =	simm.s32 $0x1;
	p0 =	seq.s32 s18, $0x0;
	_ =	strace $0x8000004F  }
.Ltmp0:
0x1a: {  	p1 =	sne.s32 s18, $0x0;
	s26 =	rddreg [dreg:$0x5];
	(pc) =	sbr.rel @!p2 .LBB2_2-.Ltmp0, $4  }
0x1b: {  	[tilespmem:s2], [sflag:$0x1] =	stream.linear.gather [hbm4b:s26+s12], $0x500, $0x200038;
	[tilespmem:$0x1EC00] =	vst v63  }
0x1c: {  	s11 =	sadd.s32 @!p0 s8, s18;
	s23 =	sand.u32 @!p0 $0x1, s22;
	s28 =	rddreg [dreg:$0x6]  }
0x1d: {  	[tilespmem:s29], [sflag:$0x3] =	stream.linear.gather [hbm4b:s28+s12], $0x500, $0x200038;
	[tilespmem:$0x1EC00] =	vst v63  }
0x1e: {  	s31 =	simm.s32 @!p1 $0x0;
	p1 =	por $0x0, $0x0;
	_ =	strace $0x9000004F  }
0x1f: {  	s0 =	smul.u32 @!p0 $0x500, s11  }
0x20: {  	s2 =	smul.u32 @!p0 $0x1400, s23;
	s17 =	simm.s32 @!p0 $0x0;
	_ =	strace @!p0 $0x80000050  }
0x21: {  	s24 =	sadd.s32 @!p0 $0x1, s23;
	s14 =	sand.u32 $0x1, s12;
	s26 =	sadd.s32 $0x0, s31  }
0x22: {  	s30 =	simm.s32 $0x2;
	s0 =	sshrl.u32 @!p0 s0, $0x3;
	s2 =	sshrl.u32 @!p0 s2, $0x2  }
0x23: {  	p2 =	sne.s32 s13, $0x2;
	s4 =	sadd.s32 @!p0 s6, s0;
	s11 =	sor.u32 @!p0 $0x1D800, s2  }
0x24: {  	[tilespmem:s11], [sflag:s24] =	stream.linear.gather @!p0 [hbm4b:s4+s17], $0x500, $0x200038;
	[tilespmem:$0x1EC00] =	vst v63  }
0x25: {  	s31 =	simm.s32 $0x1;
	s2 =	sadd.s32 @!p0 $0x1E200, s2;
	_ =	strace @!p0 $0x90000050  }
0x26: {  	s0 =	sadd.s32 @!p0 s1, s0;
	s4 =	sadd.s32 @!p0 $0x3, s23;
	_ =	strace @!p0 $0x80000051  }
0x27: {  	[tilespmem:s2], [sflag:s4] =	stream.linear.gather @!p0 [hbm4b:s0+s17], $0x500, $0x200038;
	[tilespmem:$0x1EC00] =	vst v63  }
0x28: {  	s15 =	sadd.s32 $0x1, s14;
	s29 =	smov.u32 s26;
	_ =	strace @!p0 $0x90000051  }
0x29: {  	s24 =	simm.s32 $0x1E700;
	s0 =	simm.s32 @!p0 $0x1;
	_ =	strace $0x80000052  }
0x2a: {  	s17 =	sand.u32 $0x1, s12;
	s2 =	sadd.s32 $0x1, s18;
	_ =	swait.ge [sflag:s15], $0x500  }
0x2b: {  	s4 =	simm.s32 $0x1DD00;
	s0 =	simm.s32 @p0 $0x0;
	[sflag:s15] =	ssyncset.done $0x0  }
0x2c: {  	s23 =	sadd.s32 $0x3, s17;
	p1 =	seq.s32 s17, $0x1;
	[sflag:s15] =	ssyncadd.s32 $0xFFFFFB00  }
0x2d: {  	p3 =	seq.s32 s2, s9;
	s17 =	smov.u32 s26;
	_ =	strace $0x90000052  }
0x2e: {  	s28 =	sadd.s32 $0x1, s0;
	s0 =	simm.s32 @!p0 $0x2;
	_ =	strace $0x80000053  }
0x2f: {  	s24 =	simm.s32 @!p1 $0x1E200;
	s2 =	simm.s32 @p3 $0x0;
	_ =	swait.ge [sflag:s23], $0x500  }
0x30: {  	s0 =	smov.u32 @p0 s22;
	p0 =	seq.s32 s14, $0x1;
	[sflag:s23] =	ssyncset.done $0x0  }
.Ltmp1:
0x31: {  	p1 =	sne.s32 s18, s2;
	[sflag:s23] =	ssyncadd.s32 $0xFFFFFB00;
	(pc) =	sbr.rel @!p2 .LBB2_4-.Ltmp1, $4  }
0x32: {  	s4 =	simm.s32 @!p0 $0x1D800;
	p0 =	seq.s32 s18, s2;
	_ =	strace $0x90000053  }
0x33: {  	s31 =	simm.s32 @!p1 $0x0;
	p1 =	por $0x1, $0x1;
	_ =	strace $0x80000054  }
0x34: {  	[tilespmem:s20], [sflag:$0x5] =	stream.indirect.gather [hbm4b:s7+s19], $0x10, s4, s19, $0x2000b8;
	[tilespmem:$0x1EC00] =	vst v63  }
0x35: {  	s11 =	sadd.s32 @!p0 s8, s2;
	s23 =	sand.u32 @!p0 $0x1, s0;
	s4 =	smov.u32 s26  }
.LBB2_5:
0x36: {  	s18 =	smov.u32 s0  }
0x37: {  	s0 =	smul.u32 @!p0 $0x500, s11;
	s11 =	sand.u32 @!p0 $0x1, s28;
	_ =	swait.ge [sflag:s21], $0x5000  }
0x38: {  	s12 =	smul.u32 @!p0 $0x1400, s11;
	s11 =	sadd.s32 @!p0 $0x3, s11;
	[sflag:s21] =	ssyncset.done $0x0  }
0x39: {  	s14 =	smul.u32 @!p0 $0x1400, s23;
	s0 =	sshrl.u32 @!p0 s0, $0x3;
	[sflag:s21] =	ssyncadd.s32 $0xFFFFB000  }
0x3a: {  	[spmem:s3] =	stream.indirect.scatter.add.f32 [tilespmem:s20], [sflag:$0x5], $0x10, s24, s19, $0x2000b8;
	[tilespmem:$0x1EC00] =	vst v63  }
0x3b: {  	s12 =	sshrl.u32 @!p0 s12, $0x2;
	s24 =	sadd.s32 @!p0 s6, s0;
	_ =	swait.ge [sflag:s21], $0x5000  }
0x3c: {  	s14 =	sshrl.u32 @!p0 s14, $0x2;
	s12 =	sadd.s32 @!p0 $0x1E200, s12;
	[sflag:s21] =	ssyncset.done $0x0  }
0x3d: {  	s14 =	sor.u32 @!p0 $0x1D800, s14;
	s15 =	sadd.s32 @!p0 s1, s0;
	[sflag:s21] =	ssyncadd.s32 $0xFFFFB000  }
0x3e: {  	s5 =	simm.s32 @!p0 $0x0;
	s0 =	simm.s32 @!p0 $0x1;
	_ =	strace $0x90000054  }
0x3f: {  	s23 =	sadd.s32 @!p0 $0x1, s23;
	s0 =	simm.s32 @p0 $0x0;
	_ =	strace @!p0 $0x80000050  }
0x40: {  	[tilespmem:s14], [sflag:s23] =	stream.linear.gather @!p0 [hbm4b:s24+s5], $0x500, $0x200038;
	[tilespmem:$0x1EC00] =	vst v63  }
0x41: {  	s26 =	sadd.s32 s31, s26;
	s28 =	sadd.s32 s28, s0;
	_ =	strace @!p0 $0x90000050  }
0x42: {  	s29 =	sadd.s32 s31, s29;
	s0 =	sadd.s32 @!p0 $0x1, s18;
	_ =	strace @!p0 $0x80000051  }
0x43: {  	[tilespmem:s12], [sflag:s11] =	stream.linear.gather @!p0 [hbm4b:s15+s5], $0x500, $0x200038;
	[tilespmem:$0x1EC00] =	vst v63  }
0x44: {  	s0 =	smov.u32 @p0 s18;
	s5 =	sand.u32 $0x1, s17;
	_ =	strace @!p0 $0x90000051  }
0x45: {  	s11 =	sadd.s32 $0x1, s5;
	p0 =	seq.s32 s5, $0x1;
	_ =	strace $0x80000052  }
0x46: {  	s30 =	sadd.s32 $0x1, s30;
	s17 =	smov.u32 s26;
	_ =	swait.ge [sflag:s11], $0x500  }
0x47: {  	p2 =	sne.s32 s13, s30;
	s5 =	smov.u32 s2;
	[sflag:s11] =	ssyncset.done $0x0  }
0x48: {  	s31 =	simm.s32 $0x1;
	[sflag:s11] =	ssyncadd.s32 $0xFFFFFB00  }
0x49: {  	s11 =	sand.u32 $0x1, s4;
	s4 =	smov.u32 s29;
	_ =	strace $0x90000052  }
0x4a: {  	s12 =	sadd.s32 $0x3, s11;
	p3 =	seq.s32 s11, $0x1;
	_ =	strace $0x80000053  }
0x4b: {  	s24 =	simm.s32 $0x1E700;
	s2 =	sadd.s32 $0x1, s2;
	_ =	swait.ge [sflag:s12], $0x500  }
0x4c: {  	p4 =	seq.s32 s2, s9;
	s24 =	simm.s32 @!p3 $0x1E200;
	[sflag:s12] =	ssyncset.done $0x0  }
.Ltmp2:
0x4d: {  	[sflag:s12] =	ssyncadd.s32 $0xFFFFFB00;
	s12 =	simm.s32 $0x1DD00;
	(pc) =	sbr.rel @p2 .LBB2_5-.Ltmp2, $4  }
0x4e: {  	s2 =	simm.s32 @p4 $0x0;
	_ =	strace $0x90000053;
	s12 =	simm.s32 @!p0 $0x1D800  }
0x4f: {  	p3 =	sne.s32 s5, s2;
	p0 =	seq.s32 s5, s2;
	_ =	strace $0x80000054  }
0x50: {  	s31 =	simm.s32 @!p3 $0x0;
	s11 =	sadd.s32 @!p0 s8, s2;
	s23 =	sand.u32 @!p0 $0x1, s0  }
0x51: {  	[tilespmem:s20], [sflag:$0x5] =	stream.indirect.gather [hbm4b:s7+s19], $0x10, s12, s19, $0x2000b8;
	[tilespmem:$0x1EC00] =	vst v63  }
0x52: {  	s18 =	smov.u32 s2  }
.LBB2_7:
0x53: {  	_ =	swait.ge @p1 [sflag:s21], $0x5000  }
0x54: {  	[sflag:s21] =	ssyncset.done @p1 $0x0  }
0x55: {  	[sflag:s21] =	ssyncadd.s32 @p1 $0xFFFFB000  }
0x56: {  	[spmem:s3] =	stream.indirect.scatter.add.f32 @p1 [tilespmem:s20], [sflag:$0x5], $0x10, s24, s19, $0x2000b8;
	[tilespmem:$0x1EC00] =	vst v63  }
0x57: {  	s2 =	smul.u32 @!p0 $0x500, s11;
	s5 =	sand.u32 @!p0 $0x1, s28;
	_ =	swait.ge @p1 [sflag:s21], $0x5000  }
0x58: {  	s11 =	smul.u32 @!p0 $0x1400, s23;
	s15 =	simm.s32 @!p0 $0x0;
	[sflag:s21] =	ssyncset.done @p1 $0x0  }
0x59: {  	s23 =	sadd.s32 @!p0 $0x1, s23;
	s12 =	smul.u32 @!p0 $0x1400, s5;
	[sflag:s21] =	ssyncadd.s32 @p1 $0xFFFFB000  }
0x5a: {  	s2 =	sshrl.u32 @!p0 s2, $0x3;
	s11 =	sshrl.u32 @!p0 s11, $0x2;
	_ =	strace @p1 $0x90000054  }
0x5b: {  	s14 =	sadd.s32 @!p0 s6, s2;
	s11 =	sor.u32 @!p0 $0x1D800, s11;
	_ =	strace @!p0 $0x80000050  }
0x5c: {  	[tilespmem:s11], [sflag:s23] =	stream.linear.gather @!p0 [hbm4b:s14+s15], $0x500, $0x200038;
	[tilespmem:$0x1EC00] =	vst v63  }
0x5d: {  	s5 =	sadd.s32 @!p0 $0x3, s5;
	s11 =	sshrl.u32 @!p0 s12, $0x2;
	_ =	strace @!p0 $0x90000050  }
0x5e: {  	s2 =	sadd.s32 @!p0 s1, s2;
	s11 =	sadd.s32 @!p0 $0x1E200, s11;
	_ =	strace @!p0 $0x80000051  }
0x5f: {  	[tilespmem:s11], [sflag:s5] =	stream.linear.gather @!p0 [hbm4b:s2+s15], $0x500, $0x200038;
	[tilespmem:$0x1EC00] =	vst v63  }
0x60: {  	s14 =	sand.u32 $0x1, s17;
	_ =	strace @!p0 $0x90000051  }
0x61: {  	s15 =	sadd.s32 $0x1, s14;
	_ =	strace $0x80000052  }
0x62: {  	_ =	swait.ge [sflag:s15], $0x500  }
0x63: {  	[sflag:s15] =	ssyncset.done $0x0  }
0x64: {  	[sflag:s15] =	ssyncadd.s32 $0xFFFFFB00  }
0x65: {  	s4 =	sand.u32 $0x1, s4;
	_ =	strace $0x90000052  }
0x66: {  	s17 =	sadd.s32 $0x3, s4;
	_ =	strace $0x80000053  }
0x67: {  	_ =	swait.ge [sflag:s17], $0x500  }
0x68: {  	[sflag:s17] =	ssyncset.done $0x0  }
0x69: {  	[sflag:s17] =	ssyncadd.s32 $0xFFFFFB00  }
0x6a: {  	p1 =	seq.s32 s14, $0x1;
	s2 =	simm.s32 $0x1DD00;
	_ =	strace $0x90000053  }
0x6b: {  	s2 =	simm.s32 @!p1 $0x1D800;
	_ =	strace $0x80000054  }
0x6c: {  	[tilespmem:s20], [sflag:$0x5] =	stream.indirect.gather [hbm4b:s7+s19], $0x10, s2, s19, $0x2000b8;
	[tilespmem:$0x1EC00] =	vst v63  }
0x6d: {  	p2 =	seq.s32 s4, $0x1;
	s2 =	sadd.s32 $0x1, s18  }
0x6e: {  	s4 =	sadd.s32 @!p0 $0x1, s0;
	s5 =	simm.s32 $0x1E700;
	p1 =	seq.s32 s2, s9  }
0x6f: {  	_ =	swait.ge [sflag:s21], $0x5000;
	s2 =	simm.s32 @p1 $0x0;
	p1 =	sge.u32 s30, s13  }
0x70: {  	s5 =	simm.s32 @!p2 $0x1E200;
	[sflag:s21] =	ssyncset.done $0x0;
	p2 =	seq.s32 @!p1 s18, s2  }
0x71: {  	s4 =	smov.u32 @p0 s0;
	[sflag:s21] =	ssyncadd.s32 $0xFFFFB000;
	p1 =	por p2, p1  }
0x72: {  	[spmem:s3] =	stream.indirect.scatter.add.f32 [tilespmem:s20], [sflag:$0x5], $0x10, s5, s19, $0x2000b8;
	[tilespmem:$0x1EC00] =	vst v63  }
0x73: {  	s0 =	sand.u32 @!p1 $0x1, s4  }
0x74: {  	_ =	swait.ge [sflag:s21], $0x5000;
	s2 =	sadd.s32 @!p1 s8, s2;
	s4 =	smul.u32 @!p1 $0x1400, s0  }
0x75: {  	[sflag:s21] =	ssyncset.done $0x0;
	s2 =	smul.u32 @!p1 $0x500, s2  }
0x76: {  	s11 =	simm.s32 @!p1 $0x0;
	s0 =	sadd.s32 @!p1 $0x1, s0;
	[sflag:s21] =	ssyncadd.s32 $0xFFFFB000  }
0x77: {  	_ =	strace $0x90000054;
	s4 =	sshrl.u32 @!p1 s4, $0x2;
	s2 =	sshrl.u32 @!p1 s2, $0x3  }
0x78: {  	_ =	strace @!p1 $0x80000050;
	s4 =	sor.u32 @!p1 $0x1D800, s4;
	s5 =	sadd.s32 @!p1 s6, s2  }
0x79: {  	[tilespmem:s4], [sflag:s0] =	stream.linear.gather @!p1 [hbm4b:s5+s11], $0x500, $0x200038;
	[tilespmem:$0x1EC00] =	vst v63  }
0x7a: {  	s0 =	simm.s32 @!p0 $0x1  }
0x7b: {  	s0 =	simm.s32 @p0 $0x0  }
0x7c: {  	s0 =	sadd.s32 s28, s0  }
0x7d: {  	s0 =	sand.u32 @!p1 $0x1, s0  }
0x7e: {  	s4 =	smul.u32 @!p1 $0x1400, s0  }
0x7f: {  	s18 =	sadd.s32 s31, s26  }
0x80: {  	s2 =	sadd.s32 @!p1 s1, s2;
	_ =	strace @!p1 $0x90000050;
	s4 =	sshrl.u32 @!p1 s4, $0x2  }
0x81: {  	_ =	strace @!p1 $0x80000051;
	s0 =	sadd.s32 @!p1 $0x3, s0;
	s4 =	sadd.s32 @!p1 $0x1E200, s4  }
0x82: {  	[tilespmem:s4], [sflag:s0] =	stream.linear.gather @!p1 [hbm4b:s2+s11], $0x500, $0x200038;
	[tilespmem:$0x1EC00] =	vst v63  }
0x83: {  	s0 =	sand.u32 $0x1, s18;
	_ =	strace @!p1 $0x90000051  }
0x84: {  	s23 =	sadd.s32 $0x1, s0;
	_ =	strace $0x80000052  }
0x85: {  	_ =	swait.ge [sflag:s23], $0x500  }
0x86: {  	[sflag:s23] =	ssyncset.done $0x0  }
0x87: {  	s24 =	sadd.s32 s31, s29;
	[sflag:s23] =	ssyncadd.s32 $0xFFFFFB00  }
0x88: {  	s26 =	sand.u32 $0x1, s24;
	_ =	strace $0x90000052  }
0x89: {  	s4 =	sadd.s32 $0x3, s26;
	_ =	strace $0x80000053  }
0x8a: {  	_ =	swait.ge [sflag:s4], $0x500  }
0x8b: {  	[sflag:s4] =	ssyncset.done $0x0  }
0x8c: {  	[sflag:s4] =	ssyncadd.s32 $0xFFFFFB00  }
0x8d: {  	p0 =	seq.s32 s0, $0x1;
	s0 =	simm.s32 $0x1DD00;
	_ =	strace $0x90000053  }
0x8e: {  	s0 =	simm.s32 @!p0 $0x1D800;
	_ =	strace $0x80000054  }
0x8f: {  	[tilespmem:s20], [sflag:$0x5] =	stream.indirect.gather [hbm4b:s7+s19], $0x10, s0, s19, $0x2000b8;
	[tilespmem:$0x1EC00] =	vst v63  }
0x90: {  	_ =	swait.ge [sflag:s21], $0x5000  }
0x91: {  	p0 =	seq.s32 s26, $0x1;
	s0 =	simm.s32 $0x1E700;
	[sflag:s21] =	ssyncset.done $0x0  }
0x92: {  	s0 =	simm.s32 @!p0 $0x1E200;
	[sflag:s21] =	ssyncadd.s32 $0xFFFFB000  }
0x93: {  	[spmem:s3] =	stream.indirect.scatter.add.f32 [tilespmem:s20], [sflag:$0x5], $0x10, s0, s19, $0x2000b8;
	[tilespmem:$0x1EC00] =	vst v63  }
0x94: {  	_ =	swait.ge [sflag:s21], $0x5000  }
0x95: {  	[sflag:s21] =	ssyncset.done $0x0  }
0x96: {  	[sflag:s21] =	ssyncadd.s32 $0xFFFFB000  }
0x97: {  	_ =	strace $0x90000054  }
0x98: {  	[bflag:$0x0] =	sbarrier.arrive $0xFFFF  }
0x99: {  	s29 =	simm.s32 $0x10;
	s30 =	simm.s32 $0x2;
	s28 =	rddreg [dreg:$0x7]  }
0x9a: {  	[hbm:s28@s29], [sflag:s10] =	dma.strided [spmem:s16@s30], $0x3100, s22, $0x2   }
0x9b: {  	_ =	swait.ge [sflag:s22], $0x3100  }
0x9c: {  	s25 =	sadd.s32 $0x1, s25;
	s31 =	rddreg [dreg:$0x8]  }
0x9d: {  	p0 =	sne.s32 s25, s31  }
.Ltmp3:
0x9e: {  	_ = 	snop;
	(pc) =	sbr.rel @p0 .LBB2_1-.Ltmp3, $4  }
.Ltmp4:
0x9f: {  	_ = 	snop;
	(pc) =	sbr.rel @!p0 .LBB2_8-.Ltmp4, $4  }
0xa0: {  	_ = 	snop  }
0xa1: {  	[sflag:s22] =	ssyncset.done $0x0  }
0xa2: {  	s12 =	simm.s32 $0x0;
	[sflag:s22] =	ssyncadd.s32 $0xFFFFCF00  }
0xa3: {  	_ = 	snop  }
.LBB2_2:
.Ltmp5:
0xa4: {  	(pc) =	sbr.rel .LBB2_7-.Ltmp5, $3  }
0xa5: {  	_ =	sdelay $0x1  }
0xa6: {  	s28 =	simm.s32 $0x1;
	s26 =	simm.s32 $0x0;
	s0 =	simm.s32 $0x1  }
0xa7: {  	s29 =	simm.s32 $0x0;
	s17 =	simm.s32 $0x0;
	s4 =	simm.s32 $0x0  }
.LBB2_4:
.Ltmp6:
0xa8: {  	(pc) =	sbr.rel .LBB2_7-.Ltmp6, $3  }
0xa9: {  	_ =	sdelay $0x1  }
0xaa: {  	s29 =	smov.u32 s26  }
0xab: {  	s17 =	smov.u32 s26;
	s18 =	smov.u32 s2;
	s4 =	smov.u32 s26  }
.LBB2_8:
0xac: {  	_ =	sfence.sel $0x180000  }
0xad: {  	[bflag:$0x0] =	sbarrier.arrive $0xFFFF  }
0xae: {  	_ =	strace $0x9000004E  }
0xaf: {  	s0 =	stileid.u32;
	[bflag:$0x2] =	sbarrier.arrive $0xFFFF  }
0xb0: {  	p0 =	sne.s32 s0, $0x0;
	s0 =	rddreg [dreg:$0x4]  }
0xb1: {  	s0 =	sadd.s32 @!p0 $0x100000, s0  }
0xb2: {  	[sflag:s0] =	ssyncadd.tile.s32 @!p0 $0x1;
	_ =	shalt  }
.Lfunc_end2:
_tile_overlayer_lowered:
.L_overlay_start_2:
0xb3: {  	(tag) =	ssettag $0x2  }
0xb4: {  	s0 =	rddreg [dreg:$0x0];
	s2 =	stileid.u32  }
0xb5: {  	s1 =	rddreg [dreg:$0x1];
	p0 =	sne.s32 s2, $0x0  }
0xb6: {  	s3 =	rddreg [dreg:$0x2];
	[bflag:$0x3] =	sbarrier.arrive $0xFFFF;
	s2 =	simm.s32 @!p0 $0x1C01  }
0xb7: {  	[timem:s3], [sflag:s2] =	dma.local @!p0 [hbm:s0], s1  }
0xb8: {  	s0 =	simm.s32 @!p0 $0x1  }
0xb9: {  	_ =	swait.ge @!p0 [sflag:s0], s1  }
0xba: {  	s1 =	ssub.s32 @!p0 $0x0, s1;
	[sflag:s0] =	ssyncset.done @!p0 $0x0  }
0xbb: {  	[sflag:s0] =	ssyncadd.s32 @!p0 s1  }
0xbc: {  	[bflag:$0x3] =	sbarrier.arrive $0xFFFF  }
0xbd: {  	_ =	shalt  }

</sc_bundles>
